<compile_context>
chip_gen: v7x
topology: tpu7x:2x2x1
jax: 0.10.2.dev20260603
libtpu: 0.0.44.dev20260713+nightly
codegen_flags: <defaults>
</compile_context>

<pallas_src>
import functools

import jax
import jax.numpy as jnp
from jax import lax
from jax.experimental import pallas as pl
from jax.experimental.pallas import tpu as pltpu
from jax.experimental.pallas import tpu_sc as plsc

N_E = 8192
E_DIM = 256
BETA = 0.25
B_TOT = 16 * 576

TM = 512
TN = 512
N_ROW_TILES = B_TOT // TM
N_COL_CHUNKS = N_E // TN


def _argmin_body(rn_ref, en_ref, z_ref, e_ref, idx_ref, loss_ref):
    i = pl.program_id(0)
    z_tile = z_ref[...]
    rn_tile = rn_ref[...]

    STRIPS = 4
    SW = TN // STRIPS
    m_st = [None] * STRIPS
    c_st = [None] * STRIPS
    rn_col = rn_tile[:, None]
    mms = [
        lax.dot_general(z_tile, e_ref[pl.ds(p * 4 * TN, 4 * TN), :],
                        (((1,), (1,)), ((), ())),
                        preferred_element_type=jnp.float32)
        for p in range(4)
    ]
    def d_of(c, s):
        o = c * TN + s * SW
        lo = (c % 4) * TN + s * SW
        return (rn_col + en_ref[pl.ds(o, SW)][None, :]) \
            - mms[c // 4][:, lo:lo + SW]

    def tour(chunks, s):
        if len(chunks) == 2:
            dl, dr = d_of(chunks[0], s), d_of(chunks[1], s)
            u = dr < dl
            return (jnp.where(u, dr, dl),
                    jnp.where(u, jnp.int32(chunks[1]), jnp.int32(chunks[0])))
        h = len(chunks) // 2
        lv, lc = tour(chunks[:h], s)
        rv, rc = tour(chunks[h:], s)
        u = rv < lv
        return jnp.where(u, rv, lv), jnp.where(u, rc, lc)

    for s in range(STRIPS):
        m_st[s], c_st[s] = tour(list(range(N_COL_CHUNKS)), s)

    ms = list(m_st)
    while len(ms) > 1:
        ms = [jnp.minimum(ms[k], ms[k + 1]) for k in range(0, len(ms), 2)]
    mrow = ms[0]
    m = jnp.min(mrow, axis=1)
    siota = lax.broadcasted_iota(jnp.int32, (TM, SW), 1)
    BIG = jnp.int32(2**30)
    cand = jnp.full((TM, SW), BIG, jnp.int32)
    for s in range(STRIPS):
        gidx = c_st[s] * TN + (siota + jnp.int32(s * SW))
        cand = jnp.minimum(cand,
                           jnp.where(m_st[s] == m[:, None], gidx, BIG))
    ix = jnp.min(cand, axis=1)

    idx_ref[0, 0, :] = ix
    part = jnp.sum(m)

    @pl.when(i == 0)
    def _():
        loss_ref[0, 0] = part

    @pl.when(i > 0)
    def _():
        loss_ref[0, 0] += part

    @pl.when(i == N_ROW_TILES - 1)
    def _():
        loss_ref[0, 0] = loss_ref[0, 0] * ((1.0 + BETA) / (B_TOT * E_DIM))


_argmin_call = pl.pallas_call(
    _argmin_body,
    grid=(N_ROW_TILES,),
    in_specs=[
        pl.BlockSpec((TM,), lambda i: (i,)),
        pl.BlockSpec((N_E,), lambda i: (0,)),
        pl.BlockSpec((TM, E_DIM), lambda i: (i, 0)),
        pl.BlockSpec((N_E, E_DIM), lambda i: (0, 0)),
    ],
    out_specs=[
        pl.BlockSpec((1, 1, TM), lambda i: (i, 0, 0)),
        pl.BlockSpec(memory_space=pltpu.SMEM),
    ],
    out_shape=[
        jax.ShapeDtypeStruct((N_ROW_TILES, 1, TM), jnp.int32),
        jax.ShapeDtypeStruct((1, 1), jnp.float32),
    ],
)

_NW = 32
_RPW = B_TOT // _NW
_CH = 3
_CW = _RPW // _CH
_HSL = N_E // 16

_sc_mesh = plsc.VectorSubcoreMesh(core_axis_name="c", subcore_axis_name="s")


@functools.partial(
    pl.kernel,
    out_type=[
        jax.ShapeDtypeStruct((B_TOT, E_DIM), jnp.float32),
        jax.ShapeDtypeStruct((2, N_E), jnp.float32),
    ],
    mesh=_sc_mesh,
    scratch_types=[
        pltpu.VMEM((_CH, _CW), jnp.int32),
        pltpu.VMEM((_RPW, E_DIM), jnp.float32),
        pltpu.VMEM((_CW,), jnp.float32),
        pltpu.VMEM((_HSL,), jnp.float32),
        pltpu.VMEM_SHARED((N_E,), jnp.float32),
        pltpu.SemaphoreType.DMA,
    ],
)
def _sc_gather_hist(emb_hbm, idx_hbm, zq_hbm, cnt_hbm,
                    idx_v, rows_v, ones_v, zer_v, hist_sh, sem):
    c = lax.axis_index("c")
    s = lax.axis_index("s")
    wid = s * 2 + c
    pltpu.sync_copy(idx_hbm.at[wid], idx_v)

    handles = [
        pltpu.async_copy(emb_hbm.at[idx_v.at[j]],
                         rows_v.at[pl.ds(j * _CW, _CW)], sem)
        for j in range(_CH)
    ]

    for k in range(_HSL // 16):
        zer_v[pl.ds(k * 16, 16)] = jnp.zeros((16,), jnp.float32)
    for k in range(_CW // 16):
        ones_v[pl.ds(k * 16, 16)] = jnp.ones((16,), jnp.float32)
    pltpu.sync_copy(zer_v, hist_sh.at[pl.ds(s * _HSL, _HSL)])
    plsc.subcore_barrier()

    for j in range(_CH):
        pltpu.sync_copy(ones_v, hist_sh.at[idx_v.at[j]], add=True)
    plsc.subcore_barrier()

    @pl.when(s == 0)
    def _():
        pltpu.sync_copy(hist_sh, cnt_hbm.at[c])

    for h in handles:
        h.wait()
    pltpu.sync_copy(rows_v, zq_hbm.at[pl.ds(wid * _RPW, _RPW)])


def _perp_body(cnt_ref, out_ref):
    cnt = cnt_ref[...]
    tot = cnt[0:8, :] + cnt[8:16, :]
    avg = tot / jnp.float32(B_TOT)
    ent = jnp.sum(avg * jnp.log(avg + 1e-12))
    out_ref[0, 0] = jnp.exp(-ent)


_perp_call = pl.pallas_call(
    _perp_body,
    in_specs=[pl.BlockSpec((16, 1024), lambda: (0, 0))],
    out_specs=pl.BlockSpec(memory_space=pltpu.SMEM),
    out_shape=jax.ShapeDtypeStruct((1, 1), jnp.float32),
)


def kernel(z, embedding):
    bz = z.shape[0]
    z_flat = z.reshape(-1, E_DIM)
    rn = jnp.sum(z_flat ** 2, axis=1)
    en = jnp.sum(embedding ** 2, axis=1)

    idx_tiles, loss = _argmin_call(rn, en, z_flat, embedding * 2.0)
    idx_flat = idx_tiles.reshape(B_TOT)

    zq_flat, counts = _sc_gather_hist(embedding,
                                      idx_flat.reshape(_NW, _CH, _CW))
    perp = _perp_call(counts.reshape(16, 1024))

    z_q = zq_flat.reshape(bz, -1, E_DIM)
    return (z_q, loss.reshape(()), idx_flat, perp.reshape(()))

# --- scband reference (transcript-rebuilt; emitter-appended) ---
"""Pipeline reference for scband-vector-quantizer2-78176994722626 (READ-ONLY COPY).

The authoritative reference and input builder live on the scoring server;
editing this copy changes nothing except your own understanding.
"""

import jax, jax.numpy as jnp
import numpy as np

N_E = 8192
E_DIM = 256
BETA = 0.25


def setup_inputs(seed: int = 0) -> dict:
    key = jax.random.key(seed)
    k1, k2 = jax.random.split(key)
    z = jax.random.normal(k1, (16, 576, E_DIM), dtype=jnp.float32)
    embedding = jax.random.uniform(k2, (N_E, E_DIM), minval=-1.0 / N_E, maxval=1.0 / N_E, dtype=jnp.float32)
    return {"z": z, "embedding": embedding}


def reference(z, embedding):
    bz = z.shape[0]
    z_flattened = z.reshape(-1, E_DIM)
    # squared L2 distance: ||z||^2 + ||e||^2 - 2 z.e
    d = (jnp.sum(z_flattened ** 2, axis=1, keepdims=True)
         + jnp.sum(embedding ** 2, axis=1)
         - 2.0 * jnp.einsum('bd,dn->bn', z_flattened, embedding.T))
    min_encoding_indices = jnp.argmin(d, axis=1)
    z_q = jnp.take(embedding, min_encoding_indices, axis=0).reshape(z.shape)
    # legacy=True commitment loss
    loss = (jnp.mean((jax.lax.stop_gradient(z_q) - z) ** 2)
            + BETA * jnp.mean((z_q - jax.lax.stop_gradient(z)) ** 2))
    # straight-through estimator
    z_q = z + jax.lax.stop_gradient(z_q - z)
    z_q = z_q.reshape(bz, -1, z_q.shape[-1])
    # perplexity via one-hot encoding statistics (bincount == scatter of ones)
    counts = jnp.bincount(min_encoding_indices, length=N_E).astype(jnp.float32)
    avg_probs = counts / z_flattened.shape[0]
    perplexity = jnp.exp(-jnp.sum(avg_probs * jnp.log(avg_probs + 1e-12)))
    return (z_q, loss, min_encoding_indices, perplexity)

if __name__ == "__main__":
    import jax
    _d = setup_inputs()
    print(jax.jit(kernel)(*tuple(_d.values())))

</pallas_src>

<mosaic_0001>
#map = affine_map<(d0, d1) -> (0, 0)>
#map1 = affine_map<(d0, d1) -> (0, 0, 0)>
module attributes {stable_mosaic.version = 14 : i64} {
  func.func @_sc_gather_hist(%arg0: i32, %arg1: i32, %arg2: memref<8192x256xf32, #tpu.memory_space<hbm>>, %arg3: memref<32x3x96xi32, #tpu.memory_space<hbm>>, %arg4: memref<9216x256xf32, #tpu.memory_space<hbm>>, %arg5: memref<2x8192xf32, #tpu.memory_space<hbm>>, %arg6: memref<3x96xi32, #tpu.memory_space<vmem>>, %arg7: memref<288x256xf32, #tpu.memory_space<vmem>>, %arg8: memref<96xf32, #tpu.memory_space<vmem>>, %arg9: memref<512xf32, #tpu.memory_space<vmem>>, %arg10: memref<8192xf32, #tpu.memory_space<vmem_shared>>, %arg11: memref<!tpu.dma_semaphore, #tpu.memory_space<semaphore_mem>>) attributes {dimension_semantics = [#tpu.dimension_semantics<core_parallel>, #tpu.dimension_semantics<subcore_parallel>], iteration_bounds = array<i64: 2, 16>, scalar_prefetch = 0 : i64, scratch_operands = 6 : i64, tpu.core_type = #tpu.core_type<sc_vector_subcore>, window_params = [{transform_indices = #map}, {transform_indices = #map1}, {transform_indices = #map}, {transform_indices = #map}]} {
    %mul3A = arith.constant 2 : i32
    %mul3A_0 = arith.muli %arg1, %mul3A : i32
    %add3A = arith.addi %mul3A_0, %arg0 : i32
    "tpu.region"() ({
      %run_scoped3A_294 = tpu.sem_alloc : memref<!tpu.dma_semaphore, #tpu.memory_space<semaphore_mem>>
      %dma_start3A_295 = arith.constant 0 : i32
      %dma_start3A_296 = arith.constant 0 : i32
      %dma_start3A_297 = tpu.memref_slice %arg3[%add3A, %dma_start3A_295, %dma_start3A_296] : memref<32x3x96xi32, #tpu.memory_space<hbm>> -> memref<1x3x96xi32, #tpu.memory_space<hbm>>
      %dma_start3A_298 = tpu.memref_squeeze %dma_start3A_297 : memref<1x3x96xi32, #tpu.memory_space<hbm>> -> memref<3x96xi32, #tpu.memory_space<hbm>>
      %dma_start3A_299 = arith.constant 0 : i32
      %dma_start3A_300 = arith.constant 0 : i32
      %dma_start3A_301 = tpu.memref_slice %arg3[%add3A, %dma_start3A_299, %dma_start3A_300] : memref<32x3x96xi32, #tpu.memory_space<hbm>> -> memref<1x3x96xi32, #tpu.memory_space<hbm>>
      %dma_start3A_302 = tpu.memref_squeeze %dma_start3A_301 : memref<1x3x96xi32, #tpu.memory_space<hbm>> -> memref<3x96xi32, #tpu.memory_space<hbm>>
      tpu.enqueue_dma source(%dma_start3A_302 : memref<3x96xi32, #tpu.memory_space<hbm>>) target(%arg6 : memref<3x96xi32, #tpu.memory_space<vmem>>) target_semaphore(%run_scoped3A_294 : memref<!tpu.dma_semaphore, #tpu.memory_space<semaphore_mem>>)
      %dma_wait3A_303 = arith.constant 0 : i32
      %dma_wait3A_304 = arith.constant 0 : i32
      %dma_wait3A_305 = tpu.memref_slice %arg3[%add3A, %dma_wait3A_303, %dma_wait3A_304] : memref<32x3x96xi32, #tpu.memory_space<hbm>> -> memref<1x3x96xi32, #tpu.memory_space<hbm>>
      %dma_wait3A_306 = tpu.memref_squeeze %dma_wait3A_305 : memref<1x3x96xi32, #tpu.memory_space<hbm>> -> memref<3x96xi32, #tpu.memory_space<hbm>>
      %dma_wait3A_307 = arith.constant 0 : i32
      %dma_wait3A_308 = arith.constant 0 : i32
      %dma_wait3A_309 = tpu.memref_slice %arg3[%add3A, %dma_wait3A_307, %dma_wait3A_308] : memref<32x3x96xi32, #tpu.memory_space<hbm>> -> memref<1x3x96xi32, #tpu.memory_space<hbm>>
      %dma_wait3A_310 = tpu.memref_squeeze %dma_wait3A_309 : memref<1x3x96xi32, #tpu.memory_space<hbm>> -> memref<3x96xi32, #tpu.memory_space<hbm>>
      tpu.wait_dma2 semaphore(%run_scoped3A_294 : memref<!tpu.dma_semaphore, #tpu.memory_space<semaphore_mem>>) src(%dma_wait3A_310 : memref<3x96xi32, #tpu.memory_space<hbm>>) dst(%arg6 : memref<3x96xi32, #tpu.memory_space<vmem>>)
      tpu.yield
    }) : () -> ()
    %dma_start3A = arith.constant 0 : i32
    %dma_start3A_1 = arith.constant 0 : i32
    %dma_start3A_2 = arith.constant 0 : i32
    %dma_start3A_3 = tpu.memref_slice %arg7[%dma_start3A_1, %dma_start3A_2] : memref<288x256xf32, #tpu.memory_space<vmem>> -> memref<96x256xf32, #tpu.memory_space<vmem>>
    %dma_start3A_4 = arith.constant 0 : i32
    %dma_start3A_5 = tpu.memref_slice %arg6[%dma_start3A, %dma_start3A_4] : memref<3x96xi32, #tpu.memory_space<vmem>> -> memref<1x96xi32, #tpu.memory_space<vmem>>
    %dma_start3A_6 = tpu.memref_squeeze %dma_start3A_5 : memref<1x96xi32, #tpu.memory_space<vmem>> -> memref<96xi32, #tpu.memory_space<vmem>>
    %dma_start3A_7 = arith.constant 0 : i32
    %dma_start3A_8 = arith.constant 0 : i32
    %dma_start3A_9 = tpu.memref_slice %arg2[%dma_start3A_7, %dma_start3A_8] : memref<8192x256xf32, #tpu.memory_space<hbm>> -> memref<8192x256xf32, #tpu.memory_space<hbm>>
    tpu.enqueue_indirect_dma source(%dma_start3A_9 : memref<8192x256xf32, #tpu.memory_space<hbm>>) target(%dma_start3A_3 : memref<96x256xf32, #tpu.memory_space<vmem>>) offsets(%dma_start3A_6 : memref<96xi32, #tpu.memory_space<vmem>>) semaphore(%arg11 : memref<!tpu.dma_semaphore, #tpu.memory_space<semaphore_mem>>)
    %dma_start3A_10 = arith.constant 1 : i32
    %dma_start3A_11 = arith.constant 96 : i32
    %dma_start3A_12 = arith.constant 0 : i32
    %dma_start3A_13 = tpu.memref_slice %arg7[%dma_start3A_11, %dma_start3A_12] : memref<288x256xf32, #tpu.memory_space<vmem>> -> memref<96x256xf32, #tpu.memory_space<vmem>>
    %dma_start3A_14 = arith.constant 0 : i32
    %dma_start3A_15 = tpu.memref_slice %arg6[%dma_start3A_10, %dma_start3A_14] : memref<3x96xi32, #tpu.memory_space<vmem>> -> memref<1x96xi32, #tpu.memory_space<vmem>>
    %dma_start3A_16 = tpu.memref_squeeze %dma_start3A_15 : memref<1x96xi32, #tpu.memory_space<vmem>> -> memref<96xi32, #tpu.memory_space<vmem>>
    %dma_start3A_17 = arith.constant 0 : i32
    %dma_start3A_18 = arith.constant 0 : i32
    %dma_start3A_19 = tpu.memref_slice %arg2[%dma_start3A_17, %dma_start3A_18] : memref<8192x256xf32, #tpu.memory_space<hbm>> -> memref<8192x256xf32, #tpu.memory_space<hbm>>
    tpu.enqueue_indirect_dma source(%dma_start3A_19 : memref<8192x256xf32, #tpu.memory_space<hbm>>) target(%dma_start3A_13 : memref<96x256xf32, #tpu.memory_space<vmem>>) offsets(%dma_start3A_16 : memref<96xi32, #tpu.memory_space<vmem>>) semaphore(%arg11 : memref<!tpu.dma_semaphore, #tpu.memory_space<semaphore_mem>>)
    %dma_start3A_20 = arith.constant 2 : i32
    %dma_start3A_21 = arith.constant 192 : i32
    %dma_start3A_22 = arith.constant 0 : i32
    %dma_start3A_23 = tpu.memref_slice %arg7[%dma_start3A_21, %dma_start3A_22] : memref<288x256xf32, #tpu.memory_space<vmem>> -> memref<96x256xf32, #tpu.memory_space<vmem>>
    %dma_start3A_24 = arith.constant 0 : i32
    %dma_start3A_25 = tpu.memref_slice %arg6[%dma_start3A_20, %dma_start3A_24] : memref<3x96xi32, #tpu.memory_space<vmem>> -> memref<1x96xi32, #tpu.memory_space<vmem>>
    %dma_start3A_26 = tpu.memref_squeeze %dma_start3A_25 : memref<1x96xi32, #tpu.memory_space<vmem>> -> memref<96xi32, #tpu.memory_space<vmem>>
    %dma_start3A_27 = arith.constant 0 : i32
    %dma_start3A_28 = arith.constant 0 : i32
    %dma_start3A_29 = tpu.memref_slice %arg2[%dma_start3A_27, %dma_start3A_28] : memref<8192x256xf32, #tpu.memory_space<hbm>> -> memref<8192x256xf32, #tpu.memory_space<hbm>>
    tpu.enqueue_indirect_dma source(%dma_start3A_29 : memref<8192x256xf32, #tpu.memory_space<hbm>>) target(%dma_start3A_23 : memref<96x256xf32, #tpu.memory_space<vmem>>) offsets(%dma_start3A_26 : memref<96xi32, #tpu.memory_space<vmem>>) semaphore(%arg11 : memref<!tpu.dma_semaphore, #tpu.memory_space<semaphore_mem>>)
    %broadcast_in_dim3A = arith.constant 0.000000e+00 : f32
    %broadcast_in_dim3A_30 = vector.broadcast %broadcast_in_dim3A : f32 to vector<16xf32>
    %swap3A = arith.constant 0 : index
    %swap3A_31 = tpu.vector_load %arg9[%swap3A] {strides = array<i32>} : memref<512xf32, #tpu.memory_space<vmem>>, vector<16xf32>,
    %swap3A_32 = vector.shape_cast %swap3A_31 : vector<16xf32> to vector<16xf32>
    %swap3A_33 = vector.shape_cast %broadcast_in_dim3A_30 : vector<16xf32> to vector<16xf32>
    tpu.vector_store %arg9[%swap3A], %swap3A_33 {strides = array<i32>} : memref<512xf32, #tpu.memory_space<vmem>>, vector<16xf32>,
    %broadcast_in_dim3A_34 = arith.constant 0.000000e+00 : f32
    %broadcast_in_dim3A_35 = vector.broadcast %broadcast_in_dim3A_34 : f32 to vector<16xf32>
    %swap3A_36 = arith.constant 16 : index
    %swap3A_37 = tpu.vector_load %arg9[%swap3A_36] {strides = array<i32>} : memref<512xf32, #tpu.memory_space<vmem>>, vector<16xf32>,
    %swap3A_38 = vector.shape_cast %swap3A_37 : vector<16xf32> to vector<16xf32>
    %swap3A_39 = vector.shape_cast %broadcast_in_dim3A_35 : vector<16xf32> to vector<16xf32>
    tpu.vector_store %arg9[%swap3A_36], %swap3A_39 {strides = array<i32>} : memref<512xf32, #tpu.memory_space<vmem>>, vector<16xf32>,
    %broadcast_in_dim3A_40 = arith.constant 0.000000e+00 : f32
    %broadcast_in_dim3A_41 = vector.broadcast %broadcast_in_dim3A_40 : f32 to vector<16xf32>
    %swap3A_42 = arith.constant 32 : index
    %swap3A_43 = tpu.vector_load %arg9[%swap3A_42] {strides = array<i32>} : memref<512xf32, #tpu.memory_space<vmem>>, vector<16xf32>,
    %swap3A_44 = vector.shape_cast %swap3A_43 : vector<16xf32> to vector<16xf32>
    %swap3A_45 = vector.shape_cast %broadcast_in_dim3A_41 : vector<16xf32> to vector<16xf32>
    tpu.vector_store %arg9[%swap3A_42], %swap3A_45 {strides = array<i32>} : memref<512xf32, #tpu.memory_space<vmem>>, vector<16xf32>,
    %broadcast_in_dim3A_46 = arith.constant 0.000000e+00 : f32
    %broadcast_in_dim3A_47 = vector.broadcast %broadcast_in_dim3A_46 : f32 to vector<16xf32>
    %swap3A_48 = arith.constant 48 : index
    %swap3A_49 = tpu.vector_load %arg9[%swap3A_48] {strides = array<i32>} : memref<512xf32, #tpu.memory_space<vmem>>, vector<16xf32>,
    %swap3A_50 = vector.shape_cast %swap3A_49 : vector<16xf32> to vector<16xf32>
    %swap3A_51 = vector.shape_cast %broadcast_in_dim3A_47 : vector<16xf32> to vector<16xf32>
    tpu.vector_store %arg9[%swap3A_48], %swap3A_51 {strides = array<i32>} : memref<512xf32, #tpu.memory_space<vmem>>, vector<16xf32>,
    %broadcast_in_dim3A_52 = arith.constant 0.000000e+00 : f32
    %broadcast_in_dim3A_53 = vector.broadcast %broadcast_in_dim3A_52 : f32 to vector<16xf32>
    %swap3A_54 = arith.constant 64 : index
    %swap3A_55 = tpu.vector_load %arg9[%swap3A_54] {strides = array<i32>} : memref<512xf32, #tpu.memory_space<vmem>>, vector<16xf32>,
    %swap3A_56 = vector.shape_cast %swap3A_55 : vector<16xf32> to vector<16xf32>
    %swap3A_57 = vector.shape_cast %broadcast_in_dim3A_53 : vector<16xf32> to vector<16xf32>
    tpu.vector_store %arg9[%swap3A_54], %swap3A_57 {strides = array<i32>} : memref<512xf32, #tpu.memory_space<vmem>>, vector<16xf32>,
    %broadcast_in_dim3A_58 = arith.constant 0.000000e+00 : f32
    %broadcast_in_dim3A_59 = vector.broadcast %broadcast_in_dim3A_58 : f32 to vector<16xf32>
    %swap3A_60 = arith.constant 80 : index
    %swap3A_61 = tpu.vector_load %arg9[%swap3A_60] {strides = array<i32>} : memref<512xf32, #tpu.memory_space<vmem>>, vector<16xf32>,
    %swap3A_62 = vector.shape_cast %swap3A_61 : vector<16xf32> to vector<16xf32>
    %swap3A_63 = vector.shape_cast %broadcast_in_dim3A_59 : vector<16xf32> to vector<16xf32>
    tpu.vector_store %arg9[%swap3A_60], %swap3A_63 {strides = array<i32>} : memref<512xf32, #tpu.memory_space<vmem>>, vector<16xf32>,
    %broadcast_in_dim3A_64 = arith.constant 0.000000e+00 : f32
    %broadcast_in_dim3A_65 = vector.broadcast %broadcast_in_dim3A_64 : f32 to vector<16xf32>
    %swap3A_66 = arith.constant 96 : index
    %swap3A_67 = tpu.vector_load %arg9[%swap3A_66] {strides = array<i32>} : memref<512xf32, #tpu.memory_space<vmem>>, vector<16xf32>,
    %swap3A_68 = vector.shape_cast %swap3A_67 : vector<16xf32> to vector<16xf32>
    %swap3A_69 = vector.shape_cast %broadcast_in_dim3A_65 : vector<16xf32> to vector<16xf32>
    tpu.vector_store %arg9[%swap3A_66], %swap3A_69 {strides = array<i32>} : memref<512xf32, #tpu.memory_space<vmem>>, vector<16xf32>,
    %broadcast_in_dim3A_70 = arith.constant 0.000000e+00 : f32
    %broadcast_in_dim3A_71 = vector.broadcast %broadcast_in_dim3A_70 : f32 to vector<16xf32>
    %swap3A_72 = arith.constant 112 : index
    %swap3A_73 = tpu.vector_load %arg9[%swap3A_72] {strides = array<i32>} : memref<512xf32, #tpu.memory_space<vmem>>, vector<16xf32>,
    %swap3A_74 = vector.shape_cast %swap3A_73 : vector<16xf32> to vector<16xf32>
    %swap3A_75 = vector.shape_cast %broadcast_in_dim3A_71 : vector<16xf32> to vector<16xf32>
    tpu.vector_store %arg9[%swap3A_72], %swap3A_75 {strides = array<i32>} : memref<512xf32, #tpu.memory_space<vmem>>, vector<16xf32>,
    %broadcast_in_dim3A_76 = arith.constant 0.000000e+00 : f32
    %broadcast_in_dim3A_77 = vector.broadcast %broadcast_in_dim3A_76 : f32 to vector<16xf32>
    %swap3A_78 = arith.constant 128 : index
    %swap3A_79 = tpu.vector_load %arg9[%swap3A_78] {strides = array<i32>} : memref<512xf32, #tpu.memory_space<vmem>>, vector<16xf32>,
    %swap3A_80 = vector.shape_cast %swap3A_79 : vector<16xf32> to vector<16xf32>
    %swap3A_81 = vector.shape_cast %broadcast_in_dim3A_77 : vector<16xf32> to vector<16xf32>
    tpu.vector_store %arg9[%swap3A_78], %swap3A_81 {strides = array<i32>} : memref<512xf32, #tpu.memory_space<vmem>>, vector<16xf32>,
    %broadcast_in_dim3A_82 = arith.constant 0.000000e+00 : f32
    %broadcast_in_dim3A_83 = vector.broadcast %broadcast_in_dim3A_82 : f32 to vector<16xf32>
    %swap3A_84 = arith.constant 144 : index
    %swap3A_85 = tpu.vector_load %arg9[%swap3A_84] {strides = array<i32>} : memref<512xf32, #tpu.memory_space<vmem>>, vector<16xf32>,
    %swap3A_86 = vector.shape_cast %swap3A_85 : vector<16xf32> to vector<16xf32>
    %swap3A_87 = vector.shape_cast %broadcast_in_dim3A_83 : vector<16xf32> to vector<16xf32>
    tpu.vector_store %arg9[%swap3A_84], %swap3A_87 {strides = array<i32>} : memref<512xf32, #tpu.memory_space<vmem>>, vector<16xf32>,
    %broadcast_in_dim3A_88 = arith.constant 0.000000e+00 : f32
    %broadcast_in_dim3A_89 = vector.broadcast %broadcast_in_dim3A_88 : f32 to vector<16xf32>
    %swap3A_90 = arith.constant 160 : index
    %swap3A_91 = tpu.vector_load %arg9[%swap3A_90] {strides = array<i32>} : memref<512xf32, #tpu.memory_space<vmem>>, vector<16xf32>,
    %swap3A_92 = vector.shape_cast %swap3A_91 : vector<16xf32> to vector<16xf32>
    %swap3A_93 = vector.shape_cast %broadcast_in_dim3A_89 : vector<16xf32> to vector<16xf32>
    tpu.vector_store %arg9[%swap3A_90], %swap3A_93 {strides = array<i32>} : memref<512xf32, #tpu.memory_space<vmem>>, vector<16xf32>,
    %broadcast_in_dim3A_94 = arith.constant 0.000000e+00 : f32
    %broadcast_in_dim3A_95 = vector.broadcast %broadcast_in_dim3A_94 : f32 to vector<16xf32>
    %swap3A_96 = arith.constant 176 : index
    %swap3A_97 = tpu.vector_load %arg9[%swap3A_96] {strides = array<i32>} : memref<512xf32, #tpu.memory_space<vmem>>, vector<16xf32>,
    %swap3A_98 = vector.shape_cast %swap3A_97 : vector<16xf32> to vector<16xf32>
    %swap3A_99 = vector.shape_cast %broadcast_in_dim3A_95 : vector<16xf32> to vector<16xf32>
    tpu.vector_store %arg9[%swap3A_96], %swap3A_99 {strides = array<i32>} : memref<512xf32, #tpu.memory_space<vmem>>, vector<16xf32>,
    %broadcast_in_dim3A_100 = arith.constant 0.000000e+00 : f32
    %broadcast_in_dim3A_101 = vector.broadcast %broadcast_in_dim3A_100 : f32 to vector<16xf32>
    %swap3A_102 = arith.constant 192 : index
    %swap3A_103 = tpu.vector_load %arg9[%swap3A_102] {strides = array<i32>} : memref<512xf32, #tpu.memory_space<vmem>>, vector<16xf32>,
    %swap3A_104 = vector.shape_cast %swap3A_103 : vector<16xf32> to vector<16xf32>
    %swap3A_105 = vector.shape_cast %broadcast_in_dim3A_101 : vector<16xf32> to vector<16xf32>
    tpu.vector_store %arg9[%swap3A_102], %swap3A_105 {strides = array<i32>} : memref<512xf32, #tpu.memory_space<vmem>>, vector<16xf32>,
    %broadcast_in_dim3A_106 = arith.constant 0.000000e+00 : f32
    %broadcast_in_dim3A_107 = vector.broadcast %broadcast_in_dim3A_106 : f32 to vector<16xf32>
    %swap3A_108 = arith.constant 208 : index
    %swap3A_109 = tpu.vector_load %arg9[%swap3A_108] {strides = array<i32>} : memref<512xf32, #tpu.memory_space<vmem>>, vector<16xf32>,
    %swap3A_110 = vector.shape_cast %swap3A_109 : vector<16xf32> to vector<16xf32>
    %swap3A_111 = vector.shape_cast %broadcast_in_dim3A_107 : vector<16xf32> to vector<16xf32>
    tpu.vector_store %arg9[%swap3A_108], %swap3A_111 {strides = array<i32>} : memref<512xf32, #tpu.memory_space<vmem>>, vector<16xf32>,
    %broadcast_in_dim3A_112 = arith.constant 0.000000e+00 : f32
    %broadcast_in_dim3A_113 = vector.broadcast %broadcast_in_dim3A_112 : f32 to vector<16xf32>
    %swap3A_114 = arith.constant 224 : index
    %swap3A_115 = tpu.vector_load %arg9[%swap3A_114] {strides = array<i32>} : memref<512xf32, #tpu.memory_space<vmem>>, vector<16xf32>,
    %swap3A_116 = vector.shape_cast %swap3A_115 : vector<16xf32> to vector<16xf32>
    %swap3A_117 = vector.shape_cast %broadcast_in_dim3A_113 : vector<16xf32> to vector<16xf32>
    tpu.vector_store %arg9[%swap3A_114], %swap3A_117 {strides = array<i32>} : memref<512xf32, #tpu.memory_space<vmem>>, vector<16xf32>,
    %broadcast_in_dim3A_118 = arith.constant 0.000000e+00 : f32
    %broadcast_in_dim3A_119 = vector.broadcast %broadcast_in_dim3A_118 : f32 to vector<16xf32>
    %swap3A_120 = arith.constant 240 : index
    %swap3A_121 = tpu.vector_load %arg9[%swap3A_120] {strides = array<i32>} : memref<512xf32, #tpu.memory_space<vmem>>, vector<16xf32>,
    %swap3A_122 = vector.shape_cast %swap3A_121 : vector<16xf32> to vector<16xf32>
    %swap3A_123 = vector.shape_cast %broadcast_in_dim3A_119 : vector<16xf32> to vector<16xf32>
    tpu.vector_store %arg9[%swap3A_120], %swap3A_123 {strides = array<i32>} : memref<512xf32, #tpu.memory_space<vmem>>, vector<16xf32>,
    %broadcast_in_dim3A_124 = arith.constant 0.000000e+00 : f32
    %broadcast_in_dim3A_125 = vector.broadcast %broadcast_in_dim3A_124 : f32 to vector<16xf32>
    %swap3A_126 = arith.constant 256 : index
    %swap3A_127 = tpu.vector_load %arg9[%swap3A_126] {strides = array<i32>} : memref<512xf32, #tpu.memory_space<vmem>>, vector<16xf32>,
    %swap3A_128 = vector.shape_cast %swap3A_127 : vector<16xf32> to vector<16xf32>
    %swap3A_129 = vector.shape_cast %broadcast_in_dim3A_125 : vector<16xf32> to vector<16xf32>
    tpu.vector_store %arg9[%swap3A_126], %swap3A_129 {strides = array<i32>} : memref<512xf32, #tpu.memory_space<vmem>>, vector<16xf32>,
    %broadcast_in_dim3A_130 = arith.constant 0.000000e+00 : f32
    %broadcast_in_dim3A_131 = vector.broadcast %broadcast_in_dim3A_130 : f32 to vector<16xf32>
    %swap3A_132 = arith.constant 272 : index
    %swap3A_133 = tpu.vector_load %arg9[%swap3A_132] {strides = array<i32>} : memref<512xf32, #tpu.memory_space<vmem>>, vector<16xf32>,
    %swap3A_134 = vector.shape_cast %swap3A_133 : vector<16xf32> to vector<16xf32>
    %swap3A_135 = vector.shape_cast %broadcast_in_dim3A_131 : vector<16xf32> to vector<16xf32>
    tpu.vector_store %arg9[%swap3A_132], %swap3A_135 {strides = array<i32>} : memref<512xf32, #tpu.memory_space<vmem>>, vector<16xf32>,
    %broadcast_in_dim3A_136 = arith.constant 0.000000e+00 : f32
    %broadcast_in_dim3A_137 = vector.broadcast %broadcast_in_dim3A_136 : f32 to vector<16xf32>
    %swap3A_138 = arith.constant 288 : index
    %swap3A_139 = tpu.vector_load %arg9[%swap3A_138] {strides = array<i32>} : memref<512xf32, #tpu.memory_space<vmem>>, vector<16xf32>,
    %swap3A_140 = vector.shape_cast %swap3A_139 : vector<16xf32> to vector<16xf32>
    %swap3A_141 = vector.shape_cast %broadcast_in_dim3A_137 : vector<16xf32> to vector<16xf32>
    tpu.vector_store %arg9[%swap3A_138], %swap3A_141 {strides = array<i32>} : memref<512xf32, #tpu.memory_space<vmem>>, vector<16xf32>,
    %broadcast_in_dim3A_142 = arith.constant 0.000000e+00 : f32
    %broadcast_in_dim3A_143 = vector.broadcast %broadcast_in_dim3A_142 : f32 to vector<16xf32>
    %swap3A_144 = arith.constant 304 : index
    %swap3A_145 = tpu.vector_load %arg9[%swap3A_144] {strides = array<i32>} : memref<512xf32, #tpu.memory_space<vmem>>, vector<16xf32>,
    %swap3A_146 = vector.shape_cast %swap3A_145 : vector<16xf32> to vector<16xf32>
    %swap3A_147 = vector.shape_cast %broadcast_in_dim3A_143 : vector<16xf32> to vector<16xf32>
    tpu.vector_store %arg9[%swap3A_144], %swap3A_147 {strides = array<i32>} : memref<512xf32, #tpu.memory_space<vmem>>, vector<16xf32>,
    %broadcast_in_dim3A_148 = arith.constant 0.000000e+00 : f32
    %broadcast_in_dim3A_149 = vector.broadcast %broadcast_in_dim3A_148 : f32 to vector<16xf32>
    %swap3A_150 = arith.constant 320 : index
    %swap3A_151 = tpu.vector_load %arg9[%swap3A_150] {strides = array<i32>} : memref<512xf32, #tpu.memory_space<vmem>>, vector<16xf32>,
    %swap3A_152 = vector.shape_cast %swap3A_151 : vector<16xf32> to vector<16xf32>
    %swap3A_153 = vector.shape_cast %broadcast_in_dim3A_149 : vector<16xf32> to vector<16xf32>
    tpu.vector_store %arg9[%swap3A_150], %swap3A_153 {strides = array<i32>} : memref<512xf32, #tpu.memory_space<vmem>>, vector<16xf32>,
    %broadcast_in_dim3A_154 = arith.constant 0.000000e+00 : f32
    %broadcast_in_dim3A_155 = vector.broadcast %broadcast_in_dim3A_154 : f32 to vector<16xf32>
    %swap3A_156 = arith.constant 336 : index
    %swap3A_157 = tpu.vector_load %arg9[%swap3A_156] {strides = array<i32>} : memref<512xf32, #tpu.memory_space<vmem>>, vector<16xf32>,
    %swap3A_158 = vector.shape_cast %swap3A_157 : vector<16xf32> to vector<16xf32>
    %swap3A_159 = vector.shape_cast %broadcast_in_dim3A_155 : vector<16xf32> to vector<16xf32>
    tpu.vector_store %arg9[%swap3A_156], %swap3A_159 {strides = array<i32>} : memref<512xf32, #tpu.memory_space<vmem>>, vector<16xf32>,
    %broadcast_in_dim3A_160 = arith.constant 0.000000e+00 : f32
    %broadcast_in_dim3A_161 = vector.broadcast %broadcast_in_dim3A_160 : f32 to vector<16xf32>
    %swap3A_162 = arith.constant 352 : index
    %swap3A_163 = tpu.vector_load %arg9[%swap3A_162] {strides = array<i32>} : memref<512xf32, #tpu.memory_space<vmem>>, vector<16xf32>,
    %swap3A_164 = vector.shape_cast %swap3A_163 : vector<16xf32> to vector<16xf32>
    %swap3A_165 = vector.shape_cast %broadcast_in_dim3A_161 : vector<16xf32> to vector<16xf32>
    tpu.vector_store %arg9[%swap3A_162], %swap3A_165 {strides = array<i32>} : memref<512xf32, #tpu.memory_space<vmem>>, vector<16xf32>,
    %broadcast_in_dim3A_166 = arith.constant 0.000000e+00 : f32
    %broadcast_in_dim3A_167 = vector.broadcast %broadcast_in_dim3A_166 : f32 to vector<16xf32>
    %swap3A_168 = arith.constant 368 : index
    %swap3A_169 = tpu.vector_load %arg9[%swap3A_168] {strides = array<i32>} : memref<512xf32, #tpu.memory_space<vmem>>, vector<16xf32>,
    %swap3A_170 = vector.shape_cast %swap3A_169 : vector<16xf32> to vector<16xf32>
    %swap3A_171 = vector.shape_cast %broadcast_in_dim3A_167 : vector<16xf32> to vector<16xf32>
    tpu.vector_store %arg9[%swap3A_168], %swap3A_171 {strides = array<i32>} : memref<512xf32, #tpu.memory_space<vmem>>, vector<16xf32>,
    %broadcast_in_dim3A_172 = arith.constant 0.000000e+00 : f32
    %broadcast_in_dim3A_173 = vector.broadcast %broadcast_in_dim3A_172 : f32 to vector<16xf32>
    %swap3A_174 = arith.constant 384 : index
    %swap3A_175 = tpu.vector_load %arg9[%swap3A_174] {strides = array<i32>} : memref<512xf32, #tpu.memory_space<vmem>>, vector<16xf32>,
    %swap3A_176 = vector.shape_cast %swap3A_175 : vector<16xf32> to vector<16xf32>
    %swap3A_177 = vector.shape_cast %broadcast_in_dim3A_173 : vector<16xf32> to vector<16xf32>
    tpu.vector_store %arg9[%swap3A_174], %swap3A_177 {strides = array<i32>} : memref<512xf32, #tpu.memory_space<vmem>>, vector<16xf32>,
    %broadcast_in_dim3A_178 = arith.constant 0.000000e+00 : f32
    %broadcast_in_dim3A_179 = vector.broadcast %broadcast_in_dim3A_178 : f32 to vector<16xf32>
    %swap3A_180 = arith.constant 400 : index
    %swap3A_181 = tpu.vector_load %arg9[%swap3A_180] {strides = array<i32>} : memref<512xf32, #tpu.memory_space<vmem>>, vector<16xf32>,
    %swap3A_182 = vector.shape_cast %swap3A_181 : vector<16xf32> to vector<16xf32>
    %swap3A_183 = vector.shape_cast %broadcast_in_dim3A_179 : vector<16xf32> to vector<16xf32>
    tpu.vector_store %arg9[%swap3A_180], %swap3A_183 {strides = array<i32>} : memref<512xf32, #tpu.memory_space<vmem>>, vector<16xf32>,
    %broadcast_in_dim3A_184 = arith.constant 0.000000e+00 : f32
    %broadcast_in_dim3A_185 = vector.broadcast %broadcast_in_dim3A_184 : f32 to vector<16xf32>
    %swap3A_186 = arith.constant 416 : index
    %swap3A_187 = tpu.vector_load %arg9[%swap3A_186] {strides = array<i32>} : memref<512xf32, #tpu.memory_space<vmem>>, vector<16xf32>,
    %swap3A_188 = vector.shape_cast %swap3A_187 : vector<16xf32> to vector<16xf32>
    %swap3A_189 = vector.shape_cast %broadcast_in_dim3A_185 : vector<16xf32> to vector<16xf32>
    tpu.vector_store %arg9[%swap3A_186], %swap3A_189 {strides = array<i32>} : memref<512xf32, #tpu.memory_space<vmem>>, vector<16xf32>,
    %broadcast_in_dim3A_190 = arith.constant 0.000000e+00 : f32
    %broadcast_in_dim3A_191 = vector.broadcast %broadcast_in_dim3A_190 : f32 to vector<16xf32>
    %swap3A_192 = arith.constant 432 : index
    %swap3A_193 = tpu.vector_load %arg9[%swap3A_192] {strides = array<i32>} : memref<512xf32, #tpu.memory_space<vmem>>, vector<16xf32>,
    %swap3A_194 = vector.shape_cast %swap3A_193 : vector<16xf32> to vector<16xf32>
    %swap3A_195 = vector.shape_cast %broadcast_in_dim3A_191 : vector<16xf32> to vector<16xf32>
    tpu.vector_store %arg9[%swap3A_192], %swap3A_195 {strides = array<i32>} : memref<512xf32, #tpu.memory_space<vmem>>, vector<16xf32>,
    %broadcast_in_dim3A_196 = arith.constant 0.000000e+00 : f32
    %broadcast_in_dim3A_197 = vector.broadcast %broadcast_in_dim3A_196 : f32 to vector<16xf32>
    %swap3A_198 = arith.constant 448 : index
    %swap3A_199 = tpu.vector_load %arg9[%swap3A_198] {strides = array<i32>} : memref<512xf32, #tpu.memory_space<vmem>>, vector<16xf32>,
    %swap3A_200 = vector.shape_cast %swap3A_199 : vector<16xf32> to vector<16xf32>
    %swap3A_201 = vector.shape_cast %broadcast_in_dim3A_197 : vector<16xf32> to vector<16xf32>
    tpu.vector_store %arg9[%swap3A_198], %swap3A_201 {strides = array<i32>} : memref<512xf32, #tpu.memory_space<vmem>>, vector<16xf32>,
    %broadcast_in_dim3A_202 = arith.constant 0.000000e+00 : f32
    %broadcast_in_dim3A_203 = vector.broadcast %broadcast_in_dim3A_202 : f32 to vector<16xf32>
    %swap3A_204 = arith.constant 464 : index
    %swap3A_205 = tpu.vector_load %arg9[%swap3A_204] {strides = array<i32>} : memref<512xf32, #tpu.memory_space<vmem>>, vector<16xf32>,
    %swap3A_206 = vector.shape_cast %swap3A_205 : vector<16xf32> to vector<16xf32>
    %swap3A_207 = vector.shape_cast %broadcast_in_dim3A_203 : vector<16xf32> to vector<16xf32>
    tpu.vector_store %arg9[%swap3A_204], %swap3A_207 {strides = array<i32>} : memref<512xf32, #tpu.memory_space<vmem>>, vector<16xf32>,
    %broadcast_in_dim3A_208 = arith.constant 0.000000e+00 : f32
    %broadcast_in_dim3A_209 = vector.broadcast %broadcast_in_dim3A_208 : f32 to vector<16xf32>
    %swap3A_210 = arith.constant 480 : index
    %swap3A_211 = tpu.vector_load %arg9[%swap3A_210] {strides = array<i32>} : memref<512xf32, #tpu.memory_space<vmem>>, vector<16xf32>,
    %swap3A_212 = vector.shape_cast %swap3A_211 : vector<16xf32> to vector<16xf32>
    %swap3A_213 = vector.shape_cast %broadcast_in_dim3A_209 : vector<16xf32> to vector<16xf32>
    tpu.vector_store %arg9[%swap3A_210], %swap3A_213 {strides = array<i32>} : memref<512xf32, #tpu.memory_space<vmem>>, vector<16xf32>,
    %broadcast_in_dim3A_214 = arith.constant 0.000000e+00 : f32
    %broadcast_in_dim3A_215 = vector.broadcast %broadcast_in_dim3A_214 : f32 to vector<16xf32>
    %swap3A_216 = arith.constant 496 : index
    %swap3A_217 = tpu.vector_load %arg9[%swap3A_216] {strides = array<i32>} : memref<512xf32, #tpu.memory_space<vmem>>, vector<16xf32>,
    %swap3A_218 = vector.shape_cast %swap3A_217 : vector<16xf32> to vector<16xf32>
    %swap3A_219 = vector.shape_cast %broadcast_in_dim3A_215 : vector<16xf32> to vector<16xf32>
    tpu.vector_store %arg9[%swap3A_216], %swap3A_219 {strides = array<i32>} : memref<512xf32, #tpu.memory_space<vmem>>, vector<16xf32>,
    %broadcast_in_dim3A_220 = arith.constant 1.000000e+00 : f32
    %broadcast_in_dim3A_221 = vector.broadcast %broadcast_in_dim3A_220 : f32 to vector<16xf32>
    %swap3A_222 = arith.constant 0 : index
    %swap3A_223 = tpu.vector_load %arg8[%swap3A_222] {strides = array<i32>} : memref<96xf32, #tpu.memory_space<vmem>>, vector<16xf32>,
    %swap3A_224 = vector.shape_cast %swap3A_223 : vector<16xf32> to vector<16xf32>
    %swap3A_225 = vector.shape_cast %broadcast_in_dim3A_221 : vector<16xf32> to vector<16xf32>
    tpu.vector_store %arg8[%swap3A_222], %swap3A_225 {strides = array<i32>} : memref<96xf32, #tpu.memory_space<vmem>>, vector<16xf32>,
    %broadcast_in_dim3A_226 = arith.constant 1.000000e+00 : f32
    %broadcast_in_dim3A_227 = vector.broadcast %broadcast_in_dim3A_226 : f32 to vector<16xf32>
    %swap3A_228 = arith.constant 16 : index
    %swap3A_229 = tpu.vector_load %arg8[%swap3A_228] {strides = array<i32>} : memref<96xf32, #tpu.memory_space<vmem>>, vector<16xf32>,
    %swap3A_230 = vector.shape_cast %swap3A_229 : vector<16xf32> to vector<16xf32>
    %swap3A_231 = vector.shape_cast %broadcast_in_dim3A_227 : vector<16xf32> to vector<16xf32>
    tpu.vector_store %arg8[%swap3A_228], %swap3A_231 {strides = array<i32>} : memref<96xf32, #tpu.memory_space<vmem>>, vector<16xf32>,
    %broadcast_in_dim3A_232 = arith.constant 1.000000e+00 : f32
    %broadcast_in_dim3A_233 = vector.broadcast %broadcast_in_dim3A_232 : f32 to vector<16xf32>
    %swap3A_234 = arith.constant 32 : index
    %swap3A_235 = tpu.vector_load %arg8[%swap3A_234] {strides = array<i32>} : memref<96xf32, #tpu.memory_space<vmem>>, vector<16xf32>,
    %swap3A_236 = vector.shape_cast %swap3A_235 : vector<16xf32> to vector<16xf32>
    %swap3A_237 = vector.shape_cast %broadcast_in_dim3A_233 : vector<16xf32> to vector<16xf32>
    tpu.vector_store %arg8[%swap3A_234], %swap3A_237 {strides = array<i32>} : memref<96xf32, #tpu.memory_space<vmem>>, vector<16xf32>,
    %broadcast_in_dim3A_238 = arith.constant 1.000000e+00 : f32
    %broadcast_in_dim3A_239 = vector.broadcast %broadcast_in_dim3A_238 : f32 to vector<16xf32>
    %swap3A_240 = arith.constant 48 : index
    %swap3A_241 = tpu.vector_load %arg8[%swap3A_240] {strides = array<i32>} : memref<96xf32, #tpu.memory_space<vmem>>, vector<16xf32>,
    %swap3A_242 = vector.shape_cast %swap3A_241 : vector<16xf32> to vector<16xf32>
    %swap3A_243 = vector.shape_cast %broadcast_in_dim3A_239 : vector<16xf32> to vector<16xf32>
    tpu.vector_store %arg8[%swap3A_240], %swap3A_243 {strides = array<i32>} : memref<96xf32, #tpu.memory_space<vmem>>, vector<16xf32>,
    %broadcast_in_dim3A_244 = arith.constant 1.000000e+00 : f32
    %broadcast_in_dim3A_245 = vector.broadcast %broadcast_in_dim3A_244 : f32 to vector<16xf32>
    %swap3A_246 = arith.constant 64 : index
    %swap3A_247 = tpu.vector_load %arg8[%swap3A_246] {strides = array<i32>} : memref<96xf32, #tpu.memory_space<vmem>>, vector<16xf32>,
    %swap3A_248 = vector.shape_cast %swap3A_247 : vector<16xf32> to vector<16xf32>
    %swap3A_249 = vector.shape_cast %broadcast_in_dim3A_245 : vector<16xf32> to vector<16xf32>
    tpu.vector_store %arg8[%swap3A_246], %swap3A_249 {strides = array<i32>} : memref<96xf32, #tpu.memory_space<vmem>>, vector<16xf32>,
    %broadcast_in_dim3A_250 = arith.constant 1.000000e+00 : f32
    %broadcast_in_dim3A_251 = vector.broadcast %broadcast_in_dim3A_250 : f32 to vector<16xf32>
    %swap3A_252 = arith.constant 80 : index
    %swap3A_253 = tpu.vector_load %arg8[%swap3A_252] {strides = array<i32>} : memref<96xf32, #tpu.memory_space<vmem>>, vector<16xf32>,
    %swap3A_254 = vector.shape_cast %swap3A_253 : vector<16xf32> to vector<16xf32>
    %swap3A_255 = vector.shape_cast %broadcast_in_dim3A_251 : vector<16xf32> to vector<16xf32>
    tpu.vector_store %arg8[%swap3A_252], %swap3A_255 {strides = array<i32>} : memref<96xf32, #tpu.memory_space<vmem>>, vector<16xf32>,
    %mul3A_256 = arith.constant 512 : i32
    %mul3A_257 = arith.muli %arg1, %mul3A_256 : i32
    "tpu.region"() ({
      %run_scoped3A_294 = tpu.sem_alloc : memref<!tpu.dma_semaphore, #tpu.memory_space<semaphore_mem>>
      %dma_start3A_295 = tpu.memref_slice %arg10[%mul3A_257] : memref<8192xf32, #tpu.memory_space<vmem_shared>> -> memref<512xf32, #tpu.memory_space<vmem_shared>>
      %dma_start3A_296 = tpu.memref_slice %arg10[%mul3A_257] : memref<8192xf32, #tpu.memory_space<vmem_shared>> -> memref<512xf32, #tpu.memory_space<vmem_shared>>
      tpu.enqueue_dma source(%arg9 : memref<512xf32, #tpu.memory_space<vmem>>) target(%dma_start3A_296 : memref<512xf32, #tpu.memory_space<vmem_shared>>) target_semaphore(%run_scoped3A_294 : memref<!tpu.dma_semaphore, #tpu.memory_space<semaphore_mem>>)
      %dma_wait3A_297 = tpu.memref_slice %arg10[%mul3A_257] : memref<8192xf32, #tpu.memory_space<vmem_shared>> -> memref<512xf32, #tpu.memory_space<vmem_shared>>
      %dma_wait3A_298 = tpu.memref_slice %arg10[%mul3A_257] : memref<8192xf32, #tpu.memory_space<vmem_shared>> -> memref<512xf32, #tpu.memory_space<vmem_shared>>
      tpu.wait_dma2 semaphore(%run_scoped3A_294 : memref<!tpu.dma_semaphore, #tpu.memory_space<semaphore_mem>>) src(%arg9 : memref<512xf32, #tpu.memory_space<vmem>>) dst(%dma_wait3A_298 : memref<512xf32, #tpu.memory_space<vmem_shared>>)
      tpu.yield
    }) : () -> ()
    %barrier3A = arith.constant 0 : index
    tpu.barrier barrier_id(%barrier3A)
    %run_scoped3A = arith.constant 0 : i32
    "tpu.region"() ({
      %run_scoped3A_294 = tpu.sem_alloc : memref<!tpu.dma_semaphore, #tpu.memory_space<semaphore_mem>>
      %dma_start3A_295 = arith.constant 0 : i32
      %dma_start3A_296 = tpu.memref_slice %arg6[%run_scoped3A, %dma_start3A_295] : memref<3x96xi32, #tpu.memory_space<vmem>> -> memref<1x96xi32, #tpu.memory_space<vmem>>
      %dma_start3A_297 = tpu.memref_squeeze %dma_start3A_296 : memref<1x96xi32, #tpu.memory_space<vmem>> -> memref<96xi32, #tpu.memory_space<vmem>>
      %dma_start3A_298 = arith.constant 0 : i32
      %dma_start3A_299 = tpu.memref_slice %arg10[%dma_start3A_298] : memref<8192xf32, #tpu.memory_space<vmem_shared>> -> memref<8192xf32, #tpu.memory_space<vmem_shared>>
      tpu.enqueue_indirect_dma source(%arg8 : memref<96xf32, #tpu.memory_space<vmem>>) target(%dma_start3A_299 : memref<8192xf32, #tpu.memory_space<vmem_shared>>) offsets(%dma_start3A_297 : memref<96xi32, #tpu.memory_space<vmem>>) semaphore(%run_scoped3A_294 : memref<!tpu.dma_semaphore, #tpu.memory_space<semaphore_mem>>) {add = true}
      %dma_wait3A_300 = arith.constant 0 : i32
      %dma_wait3A_301 = tpu.memref_slice %arg6[%run_scoped3A, %dma_wait3A_300] : memref<3x96xi32, #tpu.memory_space<vmem>> -> memref<1x96xi32, #tpu.memory_space<vmem>>
      %dma_wait3A_302 = tpu.memref_squeeze %dma_wait3A_301 : memref<1x96xi32, #tpu.memory_space<vmem>> -> memref<96xi32, #tpu.memory_space<vmem>>
      %dma_wait3A_303 = arith.constant 0 : i32
      %dma_wait3A_304 = tpu.memref_slice %arg10[%dma_wait3A_303] : memref<8192xf32, #tpu.memory_space<vmem_shared>> -> memref<8192xf32, #tpu.memory_space<vmem_shared>>
      tpu.wait_indirect_dma semaphore(%run_scoped3A_294 : memref<!tpu.dma_semaphore, #tpu.memory_space<semaphore_mem>>) src(%arg8 : memref<96xf32, #tpu.memory_space<vmem>>) dst(%dma_wait3A_304 : memref<8192xf32, #tpu.memory_space<vmem_shared>>)
      tpu.yield
    }) : () -> ()
    %run_scoped3A_258 = arith.constant 1 : i32
    "tpu.region"() ({
      %run_scoped3A_294 = tpu.sem_alloc : memref<!tpu.dma_semaphore, #tpu.memory_space<semaphore_mem>>
      %dma_start3A_295 = arith.constant 0 : i32
      %dma_start3A_296 = tpu.memref_slice %arg6[%run_scoped3A_258, %dma_start3A_295] : memref<3x96xi32, #tpu.memory_space<vmem>> -> memref<1x96xi32, #tpu.memory_space<vmem>>
      %dma_start3A_297 = tpu.memref_squeeze %dma_start3A_296 : memref<1x96xi32, #tpu.memory_space<vmem>> -> memref<96xi32, #tpu.memory_space<vmem>>
      %dma_start3A_298 = arith.constant 0 : i32
      %dma_start3A_299 = tpu.memref_slice %arg10[%dma_start3A_298] : memref<8192xf32, #tpu.memory_space<vmem_shared>> -> memref<8192xf32, #tpu.memory_space<vmem_shared>>
      tpu.enqueue_indirect_dma source(%arg8 : memref<96xf32, #tpu.memory_space<vmem>>) target(%dma_start3A_299 : memref<8192xf32, #tpu.memory_space<vmem_shared>>) offsets(%dma_start3A_297 : memref<96xi32, #tpu.memory_space<vmem>>) semaphore(%run_scoped3A_294 : memref<!tpu.dma_semaphore, #tpu.memory_space<semaphore_mem>>) {add = true}
      %dma_wait3A_300 = arith.constant 0 : i32
      %dma_wait3A_301 = tpu.memref_slice %arg6[%run_scoped3A_258, %dma_wait3A_300] : memref<3x96xi32, #tpu.memory_space<vmem>> -> memref<1x96xi32, #tpu.memory_space<vmem>>
      %dma_wait3A_302 = tpu.memref_squeeze %dma_wait3A_301 : memref<1x96xi32, #tpu.memory_space<vmem>> -> memref<96xi32, #tpu.memory_space<vmem>>
      %dma_wait3A_303 = arith.constant 0 : i32
      %dma_wait3A_304 = tpu.memref_slice %arg10[%dma_wait3A_303] : memref<8192xf32, #tpu.memory_space<vmem_shared>> -> memref<8192xf32, #tpu.memory_space<vmem_shared>>
      tpu.wait_indirect_dma semaphore(%run_scoped3A_294 : memref<!tpu.dma_semaphore, #tpu.memory_space<semaphore_mem>>) src(%arg8 : memref<96xf32, #tpu.memory_space<vmem>>) dst(%dma_wait3A_304 : memref<8192xf32, #tpu.memory_space<vmem_shared>>)
      tpu.yield
    }) : () -> ()
    %run_scoped3A_259 = arith.constant 2 : i32
    "tpu.region"() ({
      %run_scoped3A_294 = tpu.sem_alloc : memref<!tpu.dma_semaphore, #tpu.memory_space<semaphore_mem>>
      %dma_start3A_295 = arith.constant 0 : i32
      %dma_start3A_296 = tpu.memref_slice %arg6[%run_scoped3A_259, %dma_start3A_295] : memref<3x96xi32, #tpu.memory_space<vmem>> -> memref<1x96xi32, #tpu.memory_space<vmem>>
      %dma_start3A_297 = tpu.memref_squeeze %dma_start3A_296 : memref<1x96xi32, #tpu.memory_space<vmem>> -> memref<96xi32, #tpu.memory_space<vmem>>
      %dma_start3A_298 = arith.constant 0 : i32
      %dma_start3A_299 = tpu.memref_slice %arg10[%dma_start3A_298] : memref<8192xf32, #tpu.memory_space<vmem_shared>> -> memref<8192xf32, #tpu.memory_space<vmem_shared>>
      tpu.enqueue_indirect_dma source(%arg8 : memref<96xf32, #tpu.memory_space<vmem>>) target(%dma_start3A_299 : memref<8192xf32, #tpu.memory_space<vmem_shared>>) offsets(%dma_start3A_297 : memref<96xi32, #tpu.memory_space<vmem>>) semaphore(%run_scoped3A_294 : memref<!tpu.dma_semaphore, #tpu.memory_space<semaphore_mem>>) {add = true}
      %dma_wait3A_300 = arith.constant 0 : i32
      %dma_wait3A_301 = tpu.memref_slice %arg6[%run_scoped3A_259, %dma_wait3A_300] : memref<3x96xi32, #tpu.memory_space<vmem>> -> memref<1x96xi32, #tpu.memory_space<vmem>>
      %dma_wait3A_302 = tpu.memref_squeeze %dma_wait3A_301 : memref<1x96xi32, #tpu.memory_space<vmem>> -> memref<96xi32, #tpu.memory_space<vmem>>
      %dma_wait3A_303 = arith.constant 0 : i32
      %dma_wait3A_304 = tpu.memref_slice %arg10[%dma_wait3A_303] : memref<8192xf32, #tpu.memory_space<vmem_shared>> -> memref<8192xf32, #tpu.memory_space<vmem_shared>>
      tpu.wait_indirect_dma semaphore(%run_scoped3A_294 : memref<!tpu.dma_semaphore, #tpu.memory_space<semaphore_mem>>) src(%arg8 : memref<96xf32, #tpu.memory_space<vmem>>) dst(%dma_wait3A_304 : memref<8192xf32, #tpu.memory_space<vmem_shared>>)
      tpu.yield
    }) : () -> ()
    %barrier3A_260 = arith.constant 0 : index
    tpu.barrier barrier_id(%barrier3A_260)
    %eq3A = arith.constant 0 : i32
    %eq3A_261 = arith.cmpi eq, %arg1, %eq3A : i32
    %convert_element_type3A = arith.extui %eq3A_261 : i1 to i32
    %cond3A = arith.constant 0 : i32
    %cond3A_262 = arith.cmpi ne, %convert_element_type3A, %cond3A : i32
    scf.if %cond3A_262 {
      "tpu.region"() ({
        %run_scoped3A_294 = tpu.sem_alloc : memref<!tpu.dma_semaphore, #tpu.memory_space<semaphore_mem>>
        %dma_start3A_295 = arith.constant 0 : i32
        %dma_start3A_296 = tpu.memref_slice %arg5[%arg0, %dma_start3A_295] : memref<2x8192xf32, #tpu.memory_space<hbm>> -> memref<1x8192xf32, #tpu.memory_space<hbm>>
        %dma_start3A_297 = tpu.memref_squeeze %dma_start3A_296 : memref<1x8192xf32, #tpu.memory_space<hbm>> -> memref<8192xf32, #tpu.memory_space<hbm>>
        tpu.enqueue_dma source(%arg10 : memref<8192xf32, #tpu.memory_space<vmem_shared>>) target(%dma_start3A_297 : memref<8192xf32, #tpu.memory_space<hbm>>) target_semaphore(%run_scoped3A_294 : memref<!tpu.dma_semaphore, #tpu.memory_space<semaphore_mem>>)
        %dma_wait3A_298 = arith.constant 0 : i32
        %dma_wait3A_299 = tpu.memref_slice %arg5[%arg0, %dma_wait3A_298] : memref<2x8192xf32, #tpu.memory_space<hbm>> -> memref<1x8192xf32, #tpu.memory_space<hbm>>
        %dma_wait3A_300 = tpu.memref_squeeze %dma_wait3A_299 : memref<1x8192xf32, #tpu.memory_space<hbm>> -> memref<8192xf32, #tpu.memory_space<hbm>>
        tpu.wait_dma2 semaphore(%run_scoped3A_294 : memref<!tpu.dma_semaphore, #tpu.memory_space<semaphore_mem>>) src(%arg10 : memref<8192xf32, #tpu.memory_space<vmem_shared>>) dst(%dma_wait3A_300 : memref<8192xf32, #tpu.memory_space<hbm>>)
        tpu.yield
      }) : () -> ()
    } else {
    }
    %dma_wait3A = arith.constant 0 : i32
    %dma_wait3A_263 = arith.constant 0 : i32
    %dma_wait3A_264 = arith.constant 0 : i32
    %dma_wait3A_265 = tpu.memref_slice %arg7[%dma_wait3A_263, %dma_wait3A_264] : memref<288x256xf32, #tpu.memory_space<vmem>> -> memref<96x256xf32, #tpu.memory_space<vmem>>
    %dma_wait3A_266 = arith.constant 0 : i32
    %dma_wait3A_267 = tpu.memref_slice %arg6[%dma_wait3A, %dma_wait3A_266] : memref<3x96xi32, #tpu.memory_space<vmem>> -> memref<1x96xi32, #tpu.memory_space<vmem>>
    %dma_wait3A_268 = tpu.memref_squeeze %dma_wait3A_267 : memref<1x96xi32, #tpu.memory_space<vmem>> -> memref<96xi32, #tpu.memory_space<vmem>>
    %dma_wait3A_269 = arith.constant 0 : i32
    %dma_wait3A_270 = arith.constant 0 : i32
    %dma_wait3A_271 = tpu.memref_slice %arg2[%dma_wait3A_269, %dma_wait3A_270] : memref<8192x256xf32, #tpu.memory_space<hbm>> -> memref<8192x256xf32, #tpu.memory_space<hbm>>
    tpu.wait_indirect_dma semaphore(%arg11 : memref<!tpu.dma_semaphore, #tpu.memory_space<semaphore_mem>>) src(%dma_wait3A_271 : memref<8192x256xf32, #tpu.memory_space<hbm>>) dst(%dma_wait3A_265 : memref<96x256xf32, #tpu.memory_space<vmem>>)
    %dma_wait3A_272 = arith.constant 1 : i32
    %dma_wait3A_273 = arith.constant 96 : i32
    %dma_wait3A_274 = arith.constant 0 : i32
    %dma_wait3A_275 = tpu.memref_slice %arg7[%dma_wait3A_273, %dma_wait3A_274] : memref<288x256xf32, #tpu.memory_space<vmem>> -> memref<96x256xf32, #tpu.memory_space<vmem>>
    %dma_wait3A_276 = arith.constant 0 : i32
    %dma_wait3A_277 = tpu.memref_slice %arg6[%dma_wait3A_272, %dma_wait3A_276] : memref<3x96xi32, #tpu.memory_space<vmem>> -> memref<1x96xi32, #tpu.memory_space<vmem>>
    %dma_wait3A_278 = tpu.memref_squeeze %dma_wait3A_277 : memref<1x96xi32, #tpu.memory_space<vmem>> -> memref<96xi32, #tpu.memory_space<vmem>>
    %dma_wait3A_279 = arith.constant 0 : i32
    %dma_wait3A_280 = arith.constant 0 : i32
    %dma_wait3A_281 = tpu.memref_slice %arg2[%dma_wait3A_279, %dma_wait3A_280] : memref<8192x256xf32, #tpu.memory_space<hbm>> -> memref<8192x256xf32, #tpu.memory_space<hbm>>
    tpu.wait_indirect_dma semaphore(%arg11 : memref<!tpu.dma_semaphore, #tpu.memory_space<semaphore_mem>>) src(%dma_wait3A_281 : memref<8192x256xf32, #tpu.memory_space<hbm>>) dst(%dma_wait3A_275 : memref<96x256xf32, #tpu.memory_space<vmem>>)
    %dma_wait3A_282 = arith.constant 2 : i32
    %dma_wait3A_283 = arith.constant 192 : i32
    %dma_wait3A_284 = arith.constant 0 : i32
    %dma_wait3A_285 = tpu.memref_slice %arg7[%dma_wait3A_283, %dma_wait3A_284] : memref<288x256xf32, #tpu.memory_space<vmem>> -> memref<96x256xf32, #tpu.memory_space<vmem>>
    %dma_wait3A_286 = arith.constant 0 : i32
    %dma_wait3A_287 = tpu.memref_slice %arg6[%dma_wait3A_282, %dma_wait3A_286] : memref<3x96xi32, #tpu.memory_space<vmem>> -> memref<1x96xi32, #tpu.memory_space<vmem>>
    %dma_wait3A_288 = tpu.memref_squeeze %dma_wait3A_287 : memref<1x96xi32, #tpu.memory_space<vmem>> -> memref<96xi32, #tpu.memory_space<vmem>>
    %dma_wait3A_289 = arith.constant 0 : i32
    %dma_wait3A_290 = arith.constant 0 : i32
    %dma_wait3A_291 = tpu.memref_slice %arg2[%dma_wait3A_289, %dma_wait3A_290] : memref<8192x256xf32, #tpu.memory_space<hbm>> -> memref<8192x256xf32, #tpu.memory_space<hbm>>
    tpu.wait_indirect_dma semaphore(%arg11 : memref<!tpu.dma_semaphore, #tpu.memory_space<semaphore_mem>>) src(%dma_wait3A_291 : memref<8192x256xf32, #tpu.memory_space<hbm>>) dst(%dma_wait3A_285 : memref<96x256xf32, #tpu.memory_space<vmem>>)
    %mul3A_292 = arith.constant 288 : i32
    %mul3A_293 = arith.muli %add3A, %mul3A_292 : i32
    "tpu.region"() ({
      %run_scoped3A_294 = tpu.sem_alloc : memref<!tpu.dma_semaphore, #tpu.memory_space<semaphore_mem>>
      %dma_start3A_295 = arith.constant 0 : i32
      %dma_start3A_296 = tpu.memref_slice %arg4[%mul3A_293, %dma_start3A_295] : memref<9216x256xf32, #tpu.memory_space<hbm>> -> memref<288x256xf32, #tpu.memory_space<hbm>>
      %dma_start3A_297 = arith.constant 0 : i32
      %dma_start3A_298 = tpu.memref_slice %arg4[%mul3A_293, %dma_start3A_297] : memref<9216x256xf32, #tpu.memory_space<hbm>> -> memref<288x256xf32, #tpu.memory_space<hbm>>
      tpu.enqueue_dma source(%arg7 : memref<288x256xf32, #tpu.memory_space<vmem>>) target(%dma_start3A_298 : memref<288x256xf32, #tpu.memory_space<hbm>>) target_semaphore(%run_scoped3A_294 : memref<!tpu.dma_semaphore, #tpu.memory_space<semaphore_mem>>)
      %dma_wait3A_299 = arith.constant 0 : i32
      %dma_wait3A_300 = tpu.memref_slice %arg4[%mul3A_293, %dma_wait3A_299] : memref<9216x256xf32, #tpu.memory_space<hbm>> -> memref<288x256xf32, #tpu.memory_space<hbm>>
      %dma_wait3A_301 = arith.constant 0 : i32
      %dma_wait3A_302 = tpu.memref_slice %arg4[%mul3A_293, %dma_wait3A_301] : memref<9216x256xf32, #tpu.memory_space<hbm>> -> memref<288x256xf32, #tpu.memory_space<hbm>>
      tpu.wait_dma2 semaphore(%run_scoped3A_294 : memref<!tpu.dma_semaphore, #tpu.memory_space<semaphore_mem>>) src(%arg7 : memref<288x256xf32, #tpu.memory_space<vmem>>) dst(%dma_wait3A_302 : memref<288x256xf32, #tpu.memory_space<hbm>>)
      tpu.yield
    }) : () -> ()
    return
  }
}

module attributes {stable_mosaic.version = 14 : i64} {
  func.func @_argmin_body(%arg0: i32, %arg1: memref<512xf32, #tpu.memory_space<vmem>>, %arg2: memref<8192xf32, #tpu.memory_space<vmem>>, %arg3: memref<512x256xf32, #tpu.memory_space<vmem>>, %arg4: memref<8192x256xf32, #tpu.memory_space<vmem>>, %arg5: memref<1x1x512xi32, #tpu.memory_space<vmem>>, %arg6: memref<1x1xf32, #tpu.memory_space<smem>>) attributes {dimension_semantics = [#tpu.dimension_semantics<arbitrary>], iteration_bounds = array<i64: 18>, scalar_prefetch = 0 : i64, scratch_operands = 0 : i64, tpu.core_type = #tpu.core_type<tc>, window_params = [{transform_indices = @transform_0, window_bounds = array<i64: 512>}, {pipeline_mode = #tpu.pipeline_mode<synchronous>, transform_indices = @transform_1, window_bounds = array<i64: 8192>}, {transform_indices = @transform_2, window_bounds = array<i64: 512, 256>}, {pipeline_mode = #tpu.pipeline_mode<synchronous>, transform_indices = @transform_3, window_bounds = array<i64: 8192, 256>}, {transform_indices = @transform_4, window_bounds = array<i64: 1, 1, 512>}, {transform_indices = @transform_5, window_bounds = array<i64: 1, 1>}]} {
    %get3A = arith.constant 0 : index
    %get3A_0 = arith.constant 0 : index
    %get3A_1 = vector.load %arg3[%get3A, %get3A_0] : memref<512x256xf32, #tpu.memory_space<vmem>>, vector<512x256xf32>
    %get3A_2 = arith.constant 0 : index
    %get3A_3 = vector.load %arg1[%get3A_2] : memref<512xf32, #tpu.memory_space<vmem>>, vector<512xf32>
    %broadcast_in_dim3A = vector.shape_cast %get3A_3 : vector<512xf32> to vector<512x1xf32>
    %get3A_4 = arith.constant 0 : index
    %get3A_5 = arith.constant 0 : index
    %get3A_6 = vector.load %arg4[%get3A_4, %get3A_5] : memref<8192x256xf32, #tpu.memory_space<vmem>>, vector<2048x256xf32>
    %dot_general3A = arith.constant dense<0.000000e+00> : vector<512x2048xf32>
    %dot_general3A_7 = tpu.matmul %get3A_1, %get3A_6, %dot_general3A {dimension_numbers = #tpu.dot_dimension_numbers<[1], [1], [0], [0], [0, 0, 1, 0], [], []>, transpose_lhs_hint = false} : vector<512x256xf32>, vector<2048x256xf32>, vector<512x2048xf32> -> vector<512x2048xf32>
    %get3A_8 = arith.constant 2048 : index
    %get3A_9 = arith.constant 0 : index
    %get3A_10 = vector.load %arg4[%get3A_8, %get3A_9] : memref<8192x256xf32, #tpu.memory_space<vmem>>, vector<2048x256xf32>
    %dot_general3A_11 = arith.constant dense<0.000000e+00> : vector<512x2048xf32>
    %dot_general3A_12 = tpu.matmul %get3A_1, %get3A_10, %dot_general3A_11 {dimension_numbers = #tpu.dot_dimension_numbers<[1], [1], [0], [0], [0, 0, 1, 0], [], []>, transpose_lhs_hint = false} : vector<512x256xf32>, vector<2048x256xf32>, vector<512x2048xf32> -> vector<512x2048xf32>
    %get3A_13 = arith.constant 4096 : index
    %get3A_14 = arith.constant 0 : index
    %get3A_15 = vector.load %arg4[%get3A_13, %get3A_14] : memref<8192x256xf32, #tpu.memory_space<vmem>>, vector<2048x256xf32>
    %dot_general3A_16 = arith.constant dense<0.000000e+00> : vector<512x2048xf32>
    %dot_general3A_17 = tpu.matmul %get3A_1, %get3A_15, %dot_general3A_16 {dimension_numbers = #tpu.dot_dimension_numbers<[1], [1], [0], [0], [0, 0, 1, 0], [], []>, transpose_lhs_hint = false} : vector<512x256xf32>, vector<2048x256xf32>, vector<512x2048xf32> -> vector<512x2048xf32>
    %get3A_18 = arith.constant 6144 : index
    %get3A_19 = arith.constant 0 : index
    %get3A_20 = vector.load %arg4[%get3A_18, %get3A_19] : memref<8192x256xf32, #tpu.memory_space<vmem>>, vector<2048x256xf32>
    %dot_general3A_21 = arith.constant dense<0.000000e+00> : vector<512x2048xf32>
    %dot_general3A_22 = tpu.matmul %get3A_1, %get3A_20, %dot_general3A_21 {dimension_numbers = #tpu.dot_dimension_numbers<[1], [1], [0], [0], [0, 0, 1, 0], [], []>, transpose_lhs_hint = false} : vector<512x256xf32>, vector<2048x256xf32>, vector<512x2048xf32> -> vector<512x2048xf32>
    %get3A_23 = arith.constant 0 : index
    %get3A_24 = vector.load %arg2[%get3A_23] : memref<8192xf32, #tpu.memory_space<vmem>>, vector<128xf32>
    %broadcast_in_dim3A_25 = vector.shape_cast %get3A_24 : vector<128xf32> to vector<1x128xf32>
    %add3A = vector.broadcast %broadcast_in_dim3A : vector<512x1xf32> to vector<512x128xf32>
    %add3A_26 = vector.broadcast %broadcast_in_dim3A_25 : vector<1x128xf32> to vector<512x128xf32>
    %add3A_27 = arith.addf %add3A, %add3A_26 : vector<512x128xf32>
    %slice3A = vector.extract_strided_slice %dot_general3A_7 {offsets = [0, 0], sizes = [512, 128], strides = [1, 1]} : vector<512x2048xf32> to vector<512x128xf32>
    %sub3A = arith.subf %add3A_27, %slice3A : vector<512x128xf32>
    %get3A_28 = arith.constant 512 : index
    %get3A_29 = vector.load %arg2[%get3A_28] : memref<8192xf32, #tpu.memory_space<vmem>>, vector<128xf32>
    %broadcast_in_dim3A_30 = vector.shape_cast %get3A_29 : vector<128xf32> to vector<1x128xf32>
    %add3A_31 = vector.broadcast %broadcast_in_dim3A : vector<512x1xf32> to vector<512x128xf32>
    %add3A_32 = vector.broadcast %broadcast_in_dim3A_30 : vector<1x128xf32> to vector<512x128xf32>
    %add3A_33 = arith.addf %add3A_31, %add3A_32 : vector<512x128xf32>
    %slice3A_34 = vector.extract_strided_slice %dot_general3A_7 {offsets = [0, 512], sizes = [512, 128], strides = [1, 1]} : vector<512x2048xf32> to vector<512x128xf32>
    %sub3A_35 = arith.subf %add3A_33, %slice3A_34 : vector<512x128xf32>
    %lt3A = arith.cmpf olt, %sub3A_35, %sub3A : vector<512x128xf32>
    %select_n3A = arith.select %lt3A, %sub3A_35, %sub3A : vector<512x128xi1>, vector<512x128xf32>
    %jit3A = arith.constant 1 : i32
    %jit3A_36 = arith.constant 0 : i32
    %broadcast_in_dim3A_37 = vector.broadcast %jit3A : i32 to vector<512x128xi32>
    %broadcast_in_dim3A_38 = vector.broadcast %jit3A_36 : i32 to vector<512x128xi32>
    %select_n3A_39 = arith.select %lt3A, %broadcast_in_dim3A_37, %broadcast_in_dim3A_38 : vector<512x128xi1>, vector<512x128xi32>
    %get3A_40 = arith.constant 1024 : index
    %get3A_41 = vector.load %arg2[%get3A_40] : memref<8192xf32, #tpu.memory_space<vmem>>, vector<128xf32>
    %broadcast_in_dim3A_42 = vector.shape_cast %get3A_41 : vector<128xf32> to vector<1x128xf32>
    %add3A_43 = vector.broadcast %broadcast_in_dim3A : vector<512x1xf32> to vector<512x128xf32>
    %add3A_44 = vector.broadcast %broadcast_in_dim3A_42 : vector<1x128xf32> to vector<512x128xf32>
    %add3A_45 = arith.addf %add3A_43, %add3A_44 : vector<512x128xf32>
    %slice3A_46 = vector.extract_strided_slice %dot_general3A_7 {offsets = [0, 1024], sizes = [512, 128], strides = [1, 1]} : vector<512x2048xf32> to vector<512x128xf32>
    %sub3A_47 = arith.subf %add3A_45, %slice3A_46 : vector<512x128xf32>
    %get3A_48 = arith.constant 1536 : index
    %get3A_49 = vector.load %arg2[%get3A_48] : memref<8192xf32, #tpu.memory_space<vmem>>, vector<128xf32>
    %broadcast_in_dim3A_50 = vector.shape_cast %get3A_49 : vector<128xf32> to vector<1x128xf32>
    %add3A_51 = vector.broadcast %broadcast_in_dim3A : vector<512x1xf32> to vector<512x128xf32>
    %add3A_52 = vector.broadcast %broadcast_in_dim3A_50 : vector<1x128xf32> to vector<512x128xf32>
    %add3A_53 = arith.addf %add3A_51, %add3A_52 : vector<512x128xf32>
    %slice3A_54 = vector.extract_strided_slice %dot_general3A_7 {offsets = [0, 1536], sizes = [512, 128], strides = [1, 1]} : vector<512x2048xf32> to vector<512x128xf32>
    %sub3A_55 = arith.subf %add3A_53, %slice3A_54 : vector<512x128xf32>
    %lt3A_56 = arith.cmpf olt, %sub3A_55, %sub3A_47 : vector<512x128xf32>
    %select_n3A_57 = arith.select %lt3A_56, %sub3A_55, %sub3A_47 : vector<512x128xi1>, vector<512x128xf32>
    %jit3A_58 = arith.constant 3 : i32
    %jit3A_59 = arith.constant 2 : i32
    %broadcast_in_dim3A_60 = vector.broadcast %jit3A_58 : i32 to vector<512x128xi32>
    %broadcast_in_dim3A_61 = vector.broadcast %jit3A_59 : i32 to vector<512x128xi32>
    %select_n3A_62 = arith.select %lt3A_56, %broadcast_in_dim3A_60, %broadcast_in_dim3A_61 : vector<512x128xi1>, vector<512x128xi32>
    %lt3A_63 = arith.cmpf olt, %select_n3A_57, %select_n3A : vector<512x128xf32>
    %select_n3A_64 = arith.select %lt3A_63, %select_n3A_57, %select_n3A : vector<512x128xi1>, vector<512x128xf32>
    %select_n3A_65 = arith.select %lt3A_63, %select_n3A_62, %select_n3A_39 : vector<512x128xi1>, vector<512x128xi32>
    %get3A_66 = arith.constant 2048 : index
    %get3A_67 = vector.load %arg2[%get3A_66] : memref<8192xf32, #tpu.memory_space<vmem>>, vector<128xf32>
    %broadcast_in_dim3A_68 = vector.shape_cast %get3A_67 : vector<128xf32> to vector<1x128xf32>
    %add3A_69 = vector.broadcast %broadcast_in_dim3A : vector<512x1xf32> to vector<512x128xf32>
    %add3A_70 = vector.broadcast %broadcast_in_dim3A_68 : vector<1x128xf32> to vector<512x128xf32>
    %add3A_71 = arith.addf %add3A_69, %add3A_70 : vector<512x128xf32>
    %slice3A_72 = vector.extract_strided_slice %dot_general3A_12 {offsets = [0, 0], sizes = [512, 128], strides = [1, 1]} : vector<512x2048xf32> to vector<512x128xf32>
    %sub3A_73 = arith.subf %add3A_71, %slice3A_72 : vector<512x128xf32>
    %get3A_74 = arith.constant 2560 : index
    %get3A_75 = vector.load %arg2[%get3A_74] : memref<8192xf32, #tpu.memory_space<vmem>>, vector<128xf32>
    %broadcast_in_dim3A_76 = vector.shape_cast %get3A_75 : vector<128xf32> to vector<1x128xf32>
    %add3A_77 = vector.broadcast %broadcast_in_dim3A : vector<512x1xf32> to vector<512x128xf32>
    %add3A_78 = vector.broadcast %broadcast_in_dim3A_76 : vector<1x128xf32> to vector<512x128xf32>
    %add3A_79 = arith.addf %add3A_77, %add3A_78 : vector<512x128xf32>
    %slice3A_80 = vector.extract_strided_slice %dot_general3A_12 {offsets = [0, 512], sizes = [512, 128], strides = [1, 1]} : vector<512x2048xf32> to vector<512x128xf32>
    %sub3A_81 = arith.subf %add3A_79, %slice3A_80 : vector<512x128xf32>
    %lt3A_82 = arith.cmpf olt, %sub3A_81, %sub3A_73 : vector<512x128xf32>
    %select_n3A_83 = arith.select %lt3A_82, %sub3A_81, %sub3A_73 : vector<512x128xi1>, vector<512x128xf32>
    %jit3A_84 = arith.constant 5 : i32
    %jit3A_85 = arith.constant 4 : i32
    %broadcast_in_dim3A_86 = vector.broadcast %jit3A_84 : i32 to vector<512x128xi32>
    %broadcast_in_dim3A_87 = vector.broadcast %jit3A_85 : i32 to vector<512x128xi32>
    %select_n3A_88 = arith.select %lt3A_82, %broadcast_in_dim3A_86, %broadcast_in_dim3A_87 : vector<512x128xi1>, vector<512x128xi32>
    %get3A_89 = arith.constant 3072 : index
    %get3A_90 = vector.load %arg2[%get3A_89] : memref<8192xf32, #tpu.memory_space<vmem>>, vector<128xf32>
    %broadcast_in_dim3A_91 = vector.shape_cast %get3A_90 : vector<128xf32> to vector<1x128xf32>
    %add3A_92 = vector.broadcast %broadcast_in_dim3A : vector<512x1xf32> to vector<512x128xf32>
    %add3A_93 = vector.broadcast %broadcast_in_dim3A_91 : vector<1x128xf32> to vector<512x128xf32>
    %add3A_94 = arith.addf %add3A_92, %add3A_93 : vector<512x128xf32>
    %slice3A_95 = vector.extract_strided_slice %dot_general3A_12 {offsets = [0, 1024], sizes = [512, 128], strides = [1, 1]} : vector<512x2048xf32> to vector<512x128xf32>
    %sub3A_96 = arith.subf %add3A_94, %slice3A_95 : vector<512x128xf32>
    %get3A_97 = arith.constant 3584 : index
    %get3A_98 = vector.load %arg2[%get3A_97] : memref<8192xf32, #tpu.memory_space<vmem>>, vector<128xf32>
    %broadcast_in_dim3A_99 = vector.shape_cast %get3A_98 : vector<128xf32> to vector<1x128xf32>
    %add3A_100 = vector.broadcast %broadcast_in_dim3A : vector<512x1xf32> to vector<512x128xf32>
    %add3A_101 = vector.broadcast %broadcast_in_dim3A_99 : vector<1x128xf32> to vector<512x128xf32>
    %add3A_102 = arith.addf %add3A_100, %add3A_101 : vector<512x128xf32>
    %slice3A_103 = vector.extract_strided_slice %dot_general3A_12 {offsets = [0, 1536], sizes = [512, 128], strides = [1, 1]} : vector<512x2048xf32> to vector<512x128xf32>
    %sub3A_104 = arith.subf %add3A_102, %slice3A_103 : vector<512x128xf32>
    %lt3A_105 = arith.cmpf olt, %sub3A_104, %sub3A_96 : vector<512x128xf32>
    %select_n3A_106 = arith.select %lt3A_105, %sub3A_104, %sub3A_96 : vector<512x128xi1>, vector<512x128xf32>
    %jit3A_107 = arith.constant 7 : i32
    %jit3A_108 = arith.constant 6 : i32
    %broadcast_in_dim3A_109 = vector.broadcast %jit3A_107 : i32 to vector<512x128xi32>
    %broadcast_in_dim3A_110 = vector.broadcast %jit3A_108 : i32 to vector<512x128xi32>
    %select_n3A_111 = arith.select %lt3A_105, %broadcast_in_dim3A_109, %broadcast_in_dim3A_110 : vector<512x128xi1>, vector<512x128xi32>
    %lt3A_112 = arith.cmpf olt, %select_n3A_106, %select_n3A_83 : vector<512x128xf32>
    %select_n3A_113 = arith.select %lt3A_112, %select_n3A_106, %select_n3A_83 : vector<512x128xi1>, vector<512x128xf32>
    %select_n3A_114 = arith.select %lt3A_112, %select_n3A_111, %select_n3A_88 : vector<512x128xi1>, vector<512x128xi32>
    %lt3A_115 = arith.cmpf olt, %select_n3A_113, %select_n3A_64 : vector<512x128xf32>
    %select_n3A_116 = arith.select %lt3A_115, %select_n3A_113, %select_n3A_64 : vector<512x128xi1>, vector<512x128xf32>
    %select_n3A_117 = arith.select %lt3A_115, %select_n3A_114, %select_n3A_65 : vector<512x128xi1>, vector<512x128xi32>
    %get3A_118 = arith.constant 4096 : index
    %get3A_119 = vector.load %arg2[%get3A_118] : memref<8192xf32, #tpu.memory_space<vmem>>, vector<128xf32>
    %broadcast_in_dim3A_120 = vector.shape_cast %get3A_119 : vector<128xf32> to vector<1x128xf32>
    %add3A_121 = vector.broadcast %broadcast_in_dim3A : vector<512x1xf32> to vector<512x128xf32>
    %add3A_122 = vector.broadcast %broadcast_in_dim3A_120 : vector<1x128xf32> to vector<512x128xf32>
    %add3A_123 = arith.addf %add3A_121, %add3A_122 : vector<512x128xf32>
    %slice3A_124 = vector.extract_strided_slice %dot_general3A_17 {offsets = [0, 0], sizes = [512, 128], strides = [1, 1]} : vector<512x2048xf32> to vector<512x128xf32>
    %sub3A_125 = arith.subf %add3A_123, %slice3A_124 : vector<512x128xf32>
    %get3A_126 = arith.constant 4608 : index
    %get3A_127 = vector.load %arg2[%get3A_126] : memref<8192xf32, #tpu.memory_space<vmem>>, vector<128xf32>
    %broadcast_in_dim3A_128 = vector.shape_cast %get3A_127 : vector<128xf32> to vector<1x128xf32>
    %add3A_129 = vector.broadcast %broadcast_in_dim3A : vector<512x1xf32> to vector<512x128xf32>
    %add3A_130 = vector.broadcast %broadcast_in_dim3A_128 : vector<1x128xf32> to vector<512x128xf32>
    %add3A_131 = arith.addf %add3A_129, %add3A_130 : vector<512x128xf32>
    %slice3A_132 = vector.extract_strided_slice %dot_general3A_17 {offsets = [0, 512], sizes = [512, 128], strides = [1, 1]} : vector<512x2048xf32> to vector<512x128xf32>
    %sub3A_133 = arith.subf %add3A_131, %slice3A_132 : vector<512x128xf32>
    %lt3A_134 = arith.cmpf olt, %sub3A_133, %sub3A_125 : vector<512x128xf32>
    %select_n3A_135 = arith.select %lt3A_134, %sub3A_133, %sub3A_125 : vector<512x128xi1>, vector<512x128xf32>
    %jit3A_136 = arith.constant 9 : i32
    %jit3A_137 = arith.constant 8 : i32
    %broadcast_in_dim3A_138 = vector.broadcast %jit3A_136 : i32 to vector<512x128xi32>
    %broadcast_in_dim3A_139 = vector.broadcast %jit3A_137 : i32 to vector<512x128xi32>
    %select_n3A_140 = arith.select %lt3A_134, %broadcast_in_dim3A_138, %broadcast_in_dim3A_139 : vector<512x128xi1>, vector<512x128xi32>
    %get3A_141 = arith.constant 5120 : index
    %get3A_142 = vector.load %arg2[%get3A_141] : memref<8192xf32, #tpu.memory_space<vmem>>, vector<128xf32>
    %broadcast_in_dim3A_143 = vector.shape_cast %get3A_142 : vector<128xf32> to vector<1x128xf32>
    %add3A_144 = vector.broadcast %broadcast_in_dim3A : vector<512x1xf32> to vector<512x128xf32>
    %add3A_145 = vector.broadcast %broadcast_in_dim3A_143 : vector<1x128xf32> to vector<512x128xf32>
    %add3A_146 = arith.addf %add3A_144, %add3A_145 : vector<512x128xf32>
    %slice3A_147 = vector.extract_strided_slice %dot_general3A_17 {offsets = [0, 1024], sizes = [512, 128], strides = [1, 1]} : vector<512x2048xf32> to vector<512x128xf32>
    %sub3A_148 = arith.subf %add3A_146, %slice3A_147 : vector<512x128xf32>
    %get3A_149 = arith.constant 5632 : index
    %get3A_150 = vector.load %arg2[%get3A_149] : memref<8192xf32, #tpu.memory_space<vmem>>, vector<128xf32>
    %broadcast_in_dim3A_151 = vector.shape_cast %get3A_150 : vector<128xf32> to vector<1x128xf32>
    %add3A_152 = vector.broadcast %broadcast_in_dim3A : vector<512x1xf32> to vector<512x128xf32>
    %add3A_153 = vector.broadcast %broadcast_in_dim3A_151 : vector<1x128xf32> to vector<512x128xf32>
    %add3A_154 = arith.addf %add3A_152, %add3A_153 : vector<512x128xf32>
    %slice3A_155 = vector.extract_strided_slice %dot_general3A_17 {offsets = [0, 1536], sizes = [512, 128], strides = [1, 1]} : vector<512x2048xf32> to vector<512x128xf32>
    %sub3A_156 = arith.subf %add3A_154, %slice3A_155 : vector<512x128xf32>
    %lt3A_157 = arith.cmpf olt, %sub3A_156, %sub3A_148 : vector<512x128xf32>
    %select_n3A_158 = arith.select %lt3A_157, %sub3A_156, %sub3A_148 : vector<512x128xi1>, vector<512x128xf32>
    %jit3A_159 = arith.constant 11 : i32
    %jit3A_160 = arith.constant 10 : i32
    %broadcast_in_dim3A_161 = vector.broadcast %jit3A_159 : i32 to vector<512x128xi32>
    %broadcast_in_dim3A_162 = vector.broadcast %jit3A_160 : i32 to vector<512x128xi32>
    %select_n3A_163 = arith.select %lt3A_157, %broadcast_in_dim3A_161, %broadcast_in_dim3A_162 : vector<512x128xi1>, vector<512x128xi32>
    %lt3A_164 = arith.cmpf olt, %select_n3A_158, %select_n3A_135 : vector<512x128xf32>
    %select_n3A_165 = arith.select %lt3A_164, %select_n3A_158, %select_n3A_135 : vector<512x128xi1>, vector<512x128xf32>
    %select_n3A_166 = arith.select %lt3A_164, %select_n3A_163, %select_n3A_140 : vector<512x128xi1>, vector<512x128xi32>
    %get3A_167 = arith.constant 6144 : index
    %get3A_168 = vector.load %arg2[%get3A_167] : memref<8192xf32, #tpu.memory_space<vmem>>, vector<128xf32>
    %broadcast_in_dim3A_169 = vector.shape_cast %get3A_168 : vector<128xf32> to vector<1x128xf32>
    %add3A_170 = vector.broadcast %broadcast_in_dim3A : vector<512x1xf32> to vector<512x128xf32>
    %add3A_171 = vector.broadcast %broadcast_in_dim3A_169 : vector<1x128xf32> to vector<512x128xf32>
    %add3A_172 = arith.addf %add3A_170, %add3A_171 : vector<512x128xf32>
    %slice3A_173 = vector.extract_strided_slice %dot_general3A_22 {offsets = [0, 0], sizes = [512, 128], strides = [1, 1]} : vector<512x2048xf32> to vector<512x128xf32>
    %sub3A_174 = arith.subf %add3A_172, %slice3A_173 : vector<512x128xf32>
    %get3A_175 = arith.constant 6656 : index
    %get3A_176 = vector.load %arg2[%get3A_175] : memref<8192xf32, #tpu.memory_space<vmem>>, vector<128xf32>
    %broadcast_in_dim3A_177 = vector.shape_cast %get3A_176 : vector<128xf32> to vector<1x128xf32>
    %add3A_178 = vector.broadcast %broadcast_in_dim3A : vector<512x1xf32> to vector<512x128xf32>
    %add3A_179 = vector.broadcast %broadcast_in_dim3A_177 : vector<1x128xf32> to vector<512x128xf32>
    %add3A_180 = arith.addf %add3A_178, %add3A_179 : vector<512x128xf32>
    %slice3A_181 = vector.extract_strided_slice %dot_general3A_22 {offsets = [0, 512], sizes = [512, 128], strides = [1, 1]} : vector<512x2048xf32> to vector<512x128xf32>
    %sub3A_182 = arith.subf %add3A_180, %slice3A_181 : vector<512x128xf32>
    %lt3A_183 = arith.cmpf olt, %sub3A_182, %sub3A_174 : vector<512x128xf32>
    %select_n3A_184 = arith.select %lt3A_183, %sub3A_182, %sub3A_174 : vector<512x128xi1>, vector<512x128xf32>
    %jit3A_185 = arith.constant 13 : i32
    %jit3A_186 = arith.constant 12 : i32
    %broadcast_in_dim3A_187 = vector.broadcast %jit3A_185 : i32 to vector<512x128xi32>
    %broadcast_in_dim3A_188 = vector.broadcast %jit3A_186 : i32 to vector<512x128xi32>
    %select_n3A_189 = arith.select %lt3A_183, %broadcast_in_dim3A_187, %broadcast_in_dim3A_188 : vector<512x128xi1>, vector<512x128xi32>
    %get3A_190 = arith.constant 7168 : index
    %get3A_191 = vector.load %arg2[%get3A_190] : memref<8192xf32, #tpu.memory_space<vmem>>, vector<128xf32>
    %broadcast_in_dim3A_192 = vector.shape_cast %get3A_191 : vector<128xf32> to vector<1x128xf32>
    %add3A_193 = vector.broadcast %broadcast_in_dim3A : vector<512x1xf32> to vector<512x128xf32>
    %add3A_194 = vector.broadcast %broadcast_in_dim3A_192 : vector<1x128xf32> to vector<512x128xf32>
    %add3A_195 = arith.addf %add3A_193, %add3A_194 : vector<512x128xf32>
    %slice3A_196 = vector.extract_strided_slice %dot_general3A_22 {offsets = [0, 1024], sizes = [512, 128], strides = [1, 1]} : vector<512x2048xf32> to vector<512x128xf32>
    %sub3A_197 = arith.subf %add3A_195, %slice3A_196 : vector<512x128xf32>
    %get3A_198 = arith.constant 7680 : index
    %get3A_199 = vector.load %arg2[%get3A_198] : memref<8192xf32, #tpu.memory_space<vmem>>, vector<128xf32>
    %broadcast_in_dim3A_200 = vector.shape_cast %get3A_199 : vector<128xf32> to vector<1x128xf32>
    %add3A_201 = vector.broadcast %broadcast_in_dim3A : vector<512x1xf32> to vector<512x128xf32>
    %add3A_202 = vector.broadcast %broadcast_in_dim3A_200 : vector<1x128xf32> to vector<512x128xf32>
    %add3A_203 = arith.addf %add3A_201, %add3A_202 : vector<512x128xf32>
    %slice3A_204 = vector.extract_strided_slice %dot_general3A_22 {offsets = [0, 1536], sizes = [512, 128], strides = [1, 1]} : vector<512x2048xf32> to vector<512x128xf32>
    %sub3A_205 = arith.subf %add3A_203, %slice3A_204 : vector<512x128xf32>
    %lt3A_206 = arith.cmpf olt, %sub3A_205, %sub3A_197 : vector<512x128xf32>
    %select_n3A_207 = arith.select %lt3A_206, %sub3A_205, %sub3A_197 : vector<512x128xi1>, vector<512x128xf32>
    %jit3A_208 = arith.constant 15 : i32
    %jit3A_209 = arith.constant 14 : i32
    %broadcast_in_dim3A_210 = vector.broadcast %jit3A_208 : i32 to vector<512x128xi32>
    %broadcast_in_dim3A_211 = vector.broadcast %jit3A_209 : i32 to vector<512x128xi32>
    %select_n3A_212 = arith.select %lt3A_206, %broadcast_in_dim3A_210, %broadcast_in_dim3A_211 : vector<512x128xi1>, vector<512x128xi32>
    %lt3A_213 = arith.cmpf olt, %select_n3A_207, %select_n3A_184 : vector<512x128xf32>
    %select_n3A_214 = arith.select %lt3A_213, %select_n3A_207, %select_n3A_184 : vector<512x128xi1>, vector<512x128xf32>
    %select_n3A_215 = arith.select %lt3A_213, %select_n3A_212, %select_n3A_189 : vector<512x128xi1>, vector<512x128xi32>
    %lt3A_216 = arith.cmpf olt, %select_n3A_214, %select_n3A_165 : vector<512x128xf32>
    %select_n3A_217 = arith.select %lt3A_216, %select_n3A_214, %select_n3A_165 : vector<512x128xi1>, vector<512x128xf32>
    %select_n3A_218 = arith.select %lt3A_216, %select_n3A_215, %select_n3A_166 : vector<512x128xi1>, vector<512x128xi32>
    %lt3A_219 = arith.cmpf olt, %select_n3A_217, %select_n3A_116 : vector<512x128xf32>
    %select_n3A_220 = arith.select %lt3A_219, %select_n3A_217, %select_n3A_116 : vector<512x128xi1>, vector<512x128xf32>
    %select_n3A_221 = arith.select %lt3A_219, %select_n3A_218, %select_n3A_117 : vector<512x128xi1>, vector<512x128xi32>
    %get3A_222 = arith.constant 128 : index
    %get3A_223 = vector.load %arg2[%get3A_222] : memref<8192xf32, #tpu.memory_space<vmem>>, vector<128xf32>
    %broadcast_in_dim3A_224 = vector.shape_cast %get3A_223 : vector<128xf32> to vector<1x128xf32>
    %add3A_225 = vector.broadcast %broadcast_in_dim3A : vector<512x1xf32> to vector<512x128xf32>
    %add3A_226 = vector.broadcast %broadcast_in_dim3A_224 : vector<1x128xf32> to vector<512x128xf32>
    %add3A_227 = arith.addf %add3A_225, %add3A_226 : vector<512x128xf32>
    %slice3A_228 = vector.extract_strided_slice %dot_general3A_7 {offsets = [0, 128], sizes = [512, 128], strides = [1, 1]} : vector<512x2048xf32> to vector<512x128xf32>
    %sub3A_229 = arith.subf %add3A_227, %slice3A_228 : vector<512x128xf32>
    %get3A_230 = arith.constant 640 : index
    %get3A_231 = vector.load %arg2[%get3A_230] : memref<8192xf32, #tpu.memory_space<vmem>>, vector<128xf32>
    %broadcast_in_dim3A_232 = vector.shape_cast %get3A_231 : vector<128xf32> to vector<1x128xf32>
    %add3A_233 = vector.broadcast %broadcast_in_dim3A : vector<512x1xf32> to vector<512x128xf32>
    %add3A_234 = vector.broadcast %broadcast_in_dim3A_232 : vector<1x128xf32> to vector<512x128xf32>
    %add3A_235 = arith.addf %add3A_233, %add3A_234 : vector<512x128xf32>
    %slice3A_236 = vector.extract_strided_slice %dot_general3A_7 {offsets = [0, 640], sizes = [512, 128], strides = [1, 1]} : vector<512x2048xf32> to vector<512x128xf32>
    %sub3A_237 = arith.subf %add3A_235, %slice3A_236 : vector<512x128xf32>
    %lt3A_238 = arith.cmpf olt, %sub3A_237, %sub3A_229 : vector<512x128xf32>
    %select_n3A_239 = arith.select %lt3A_238, %sub3A_237, %sub3A_229 : vector<512x128xi1>, vector<512x128xf32>
    %jit3A_240 = arith.constant 1 : i32
    %jit3A_241 = arith.constant 0 : i32
    %broadcast_in_dim3A_242 = vector.broadcast %jit3A_240 : i32 to vector<512x128xi32>
    %broadcast_in_dim3A_243 = vector.broadcast %jit3A_241 : i32 to vector<512x128xi32>
    %select_n3A_244 = arith.select %lt3A_238, %broadcast_in_dim3A_242, %broadcast_in_dim3A_243 : vector<512x128xi1>, vector<512x128xi32>
    %get3A_245 = arith.constant 1152 : index
    %get3A_246 = vector.load %arg2[%get3A_245] : memref<8192xf32, #tpu.memory_space<vmem>>, vector<128xf32>
    %broadcast_in_dim3A_247 = vector.shape_cast %get3A_246 : vector<128xf32> to vector<1x128xf32>
    %add3A_248 = vector.broadcast %broadcast_in_dim3A : vector<512x1xf32> to vector<512x128xf32>
    %add3A_249 = vector.broadcast %broadcast_in_dim3A_247 : vector<1x128xf32> to vector<512x128xf32>
    %add3A_250 = arith.addf %add3A_248, %add3A_249 : vector<512x128xf32>
    %slice3A_251 = vector.extract_strided_slice %dot_general3A_7 {offsets = [0, 1152], sizes = [512, 128], strides = [1, 1]} : vector<512x2048xf32> to vector<512x128xf32>
    %sub3A_252 = arith.subf %add3A_250, %slice3A_251 : vector<512x128xf32>
    %get3A_253 = arith.constant 1664 : index
    %get3A_254 = vector.load %arg2[%get3A_253] : memref<8192xf32, #tpu.memory_space<vmem>>, vector<128xf32>
    %broadcast_in_dim3A_255 = vector.shape_cast %get3A_254 : vector<128xf32> to vector<1x128xf32>
    %add3A_256 = vector.broadcast %broadcast_in_dim3A : vector<512x1xf32> to vector<512x128xf32>
    %add3A_257 = vector.broadcast %broadcast_in_dim3A_255 : vector<1x128xf32> to vector<512x128xf32>
    %add3A_258 = arith.addf %add3A_256, %add3A_257 : vector<512x128xf32>
    %slice3A_259 = vector.extract_strided_slice %dot_general3A_7 {offsets = [0, 1664], sizes = [512, 128], strides = [1, 1]} : vector<512x2048xf32> to vector<512x128xf32>
    %sub3A_260 = arith.subf %add3A_258, %slice3A_259 : vector<512x128xf32>
    %lt3A_261 = arith.cmpf olt, %sub3A_260, %sub3A_252 : vector<512x128xf32>
    %select_n3A_262 = arith.select %lt3A_261, %sub3A_260, %sub3A_252 : vector<512x128xi1>, vector<512x128xf32>
    %jit3A_263 = arith.constant 3 : i32
    %jit3A_264 = arith.constant 2 : i32
    %broadcast_in_dim3A_265 = vector.broadcast %jit3A_263 : i32 to vector<512x128xi32>
    %broadcast_in_dim3A_266 = vector.broadcast %jit3A_264 : i32 to vector<512x128xi32>
    %select_n3A_267 = arith.select %lt3A_261, %broadcast_in_dim3A_265, %broadcast_in_dim3A_266 : vector<512x128xi1>, vector<512x128xi32>
    %lt3A_268 = arith.cmpf olt, %select_n3A_262, %select_n3A_239 : vector<512x128xf32>
    %select_n3A_269 = arith.select %lt3A_268, %select_n3A_262, %select_n3A_239 : vector<512x128xi1>, vector<512x128xf32>
    %select_n3A_270 = arith.select %lt3A_268, %select_n3A_267, %select_n3A_244 : vector<512x128xi1>, vector<512x128xi32>
    %get3A_271 = arith.constant 2176 : index
    %get3A_272 = vector.load %arg2[%get3A_271] : memref<8192xf32, #tpu.memory_space<vmem>>, vector<128xf32>
    %broadcast_in_dim3A_273 = vector.shape_cast %get3A_272 : vector<128xf32> to vector<1x128xf32>
    %add3A_274 = vector.broadcast %broadcast_in_dim3A : vector<512x1xf32> to vector<512x128xf32>
    %add3A_275 = vector.broadcast %broadcast_in_dim3A_273 : vector<1x128xf32> to vector<512x128xf32>
    %add3A_276 = arith.addf %add3A_274, %add3A_275 : vector<512x128xf32>
    %slice3A_277 = vector.extract_strided_slice %dot_general3A_12 {offsets = [0, 128], sizes = [512, 128], strides = [1, 1]} : vector<512x2048xf32> to vector<512x128xf32>
    %sub3A_278 = arith.subf %add3A_276, %slice3A_277 : vector<512x128xf32>
    %get3A_279 = arith.constant 2688 : index
    %get3A_280 = vector.load %arg2[%get3A_279] : memref<8192xf32, #tpu.memory_space<vmem>>, vector<128xf32>
    %broadcast_in_dim3A_281 = vector.shape_cast %get3A_280 : vector<128xf32> to vector<1x128xf32>
    %add3A_282 = vector.broadcast %broadcast_in_dim3A : vector<512x1xf32> to vector<512x128xf32>
    %add3A_283 = vector.broadcast %broadcast_in_dim3A_281 : vector<1x128xf32> to vector<512x128xf32>
    %add3A_284 = arith.addf %add3A_282, %add3A_283 : vector<512x128xf32>
    %slice3A_285 = vector.extract_strided_slice %dot_general3A_12 {offsets = [0, 640], sizes = [512, 128], strides = [1, 1]} : vector<512x2048xf32> to vector<512x128xf32>
    %sub3A_286 = arith.subf %add3A_284, %slice3A_285 : vector<512x128xf32>
    %lt3A_287 = arith.cmpf olt, %sub3A_286, %sub3A_278 : vector<512x128xf32>
    %select_n3A_288 = arith.select %lt3A_287, %sub3A_286, %sub3A_278 : vector<512x128xi1>, vector<512x128xf32>
    %jit3A_289 = arith.constant 5 : i32
    %jit3A_290 = arith.constant 4 : i32
    %broadcast_in_dim3A_291 = vector.broadcast %jit3A_289 : i32 to vector<512x128xi32>
    %broadcast_in_dim3A_292 = vector.broadcast %jit3A_290 : i32 to vector<512x128xi32>
    %select_n3A_293 = arith.select %lt3A_287, %broadcast_in_dim3A_291, %broadcast_in_dim3A_292 : vector<512x128xi1>, vector<512x128xi32>
    %get3A_294 = arith.constant 3200 : index
    %get3A_295 = vector.load %arg2[%get3A_294] : memref<8192xf32, #tpu.memory_space<vmem>>, vector<128xf32>
    %broadcast_in_dim3A_296 = vector.shape_cast %get3A_295 : vector<128xf32> to vector<1x128xf32>
    %add3A_297 = vector.broadcast %broadcast_in_dim3A : vector<512x1xf32> to vector<512x128xf32>
    %add3A_298 = vector.broadcast %broadcast_in_dim3A_296 : vector<1x128xf32> to vector<512x128xf32>
    %add3A_299 = arith.addf %add3A_297, %add3A_298 : vector<512x128xf32>
    %slice3A_300 = vector.extract_strided_slice %dot_general3A_12 {offsets = [0, 1152], sizes = [512, 128], strides = [1, 1]} : vector<512x2048xf32> to vector<512x128xf32>
    %sub3A_301 = arith.subf %add3A_299, %slice3A_300 : vector<512x128xf32>
    %get3A_302 = arith.constant 3712 : index
    %get3A_303 = vector.load %arg2[%get3A_302] : memref<8192xf32, #tpu.memory_space<vmem>>, vector<128xf32>
    %broadcast_in_dim3A_304 = vector.shape_cast %get3A_303 : vector<128xf32> to vector<1x128xf32>
    %add3A_305 = vector.broadcast %broadcast_in_dim3A : vector<512x1xf32> to vector<512x128xf32>
    %add3A_306 = vector.broadcast %broadcast_in_dim3A_304 : vector<1x128xf32> to vector<512x128xf32>
    %add3A_307 = arith.addf %add3A_305, %add3A_306 : vector<512x128xf32>
    %slice3A_308 = vector.extract_strided_slice %dot_general3A_12 {offsets = [0, 1664], sizes = [512, 128], strides = [1, 1]} : vector<512x2048xf32> to vector<512x128xf32>
    %sub3A_309 = arith.subf %add3A_307, %slice3A_308 : vector<512x128xf32>
    %lt3A_310 = arith.cmpf olt, %sub3A_309, %sub3A_301 : vector<512x128xf32>
    %select_n3A_311 = arith.select %lt3A_310, %sub3A_309, %sub3A_301 : vector<512x128xi1>, vector<512x128xf32>
    %jit3A_312 = arith.constant 7 : i32
    %jit3A_313 = arith.constant 6 : i32
    %broadcast_in_dim3A_314 = vector.broadcast %jit3A_312 : i32 to vector<512x128xi32>
    %broadcast_in_dim3A_315 = vector.broadcast %jit3A_313 : i32 to vector<512x128xi32>
    %select_n3A_316 = arith.select %lt3A_310, %broadcast_in_dim3A_314, %broadcast_in_dim3A_315 : vector<512x128xi1>, vector<512x128xi32>
    %lt3A_317 = arith.cmpf olt, %select_n3A_311, %select_n3A_288 : vector<512x128xf32>
    %select_n3A_318 = arith.select %lt3A_317, %select_n3A_311, %select_n3A_288 : vector<512x128xi1>, vector<512x128xf32>
    %select_n3A_319 = arith.select %lt3A_317, %select_n3A_316, %select_n3A_293 : vector<512x128xi1>, vector<512x128xi32>
    %lt3A_320 = arith.cmpf olt, %select_n3A_318, %select_n3A_269 : vector<512x128xf32>
    %select_n3A_321 = arith.select %lt3A_320, %select_n3A_318, %select_n3A_269 : vector<512x128xi1>, vector<512x128xf32>
    %select_n3A_322 = arith.select %lt3A_320, %select_n3A_319, %select_n3A_270 : vector<512x128xi1>, vector<512x128xi32>
    %get3A_323 = arith.constant 4224 : index
    %get3A_324 = vector.load %arg2[%get3A_323] : memref<8192xf32, #tpu.memory_space<vmem>>, vector<128xf32>
    %broadcast_in_dim3A_325 = vector.shape_cast %get3A_324 : vector<128xf32> to vector<1x128xf32>
    %add3A_326 = vector.broadcast %broadcast_in_dim3A : vector<512x1xf32> to vector<512x128xf32>
    %add3A_327 = vector.broadcast %broadcast_in_dim3A_325 : vector<1x128xf32> to vector<512x128xf32>
    %add3A_328 = arith.addf %add3A_326, %add3A_327 : vector<512x128xf32>
    %slice3A_329 = vector.extract_strided_slice %dot_general3A_17 {offsets = [0, 128], sizes = [512, 128], strides = [1, 1]} : vector<512x2048xf32> to vector<512x128xf32>
    %sub3A_330 = arith.subf %add3A_328, %slice3A_329 : vector<512x128xf32>
    %get3A_331 = arith.constant 4736 : index
    %get3A_332 = vector.load %arg2[%get3A_331] : memref<8192xf32, #tpu.memory_space<vmem>>, vector<128xf32>
    %broadcast_in_dim3A_333 = vector.shape_cast %get3A_332 : vector<128xf32> to vector<1x128xf32>
    %add3A_334 = vector.broadcast %broadcast_in_dim3A : vector<512x1xf32> to vector<512x128xf32>
    %add3A_335 = vector.broadcast %broadcast_in_dim3A_333 : vector<1x128xf32> to vector<512x128xf32>
    %add3A_336 = arith.addf %add3A_334, %add3A_335 : vector<512x128xf32>
    %slice3A_337 = vector.extract_strided_slice %dot_general3A_17 {offsets = [0, 640], sizes = [512, 128], strides = [1, 1]} : vector<512x2048xf32> to vector<512x128xf32>
    %sub3A_338 = arith.subf %add3A_336, %slice3A_337 : vector<512x128xf32>
    %lt3A_339 = arith.cmpf olt, %sub3A_338, %sub3A_330 : vector<512x128xf32>
    %select_n3A_340 = arith.select %lt3A_339, %sub3A_338, %sub3A_330 : vector<512x128xi1>, vector<512x128xf32>
    %jit3A_341 = arith.constant 9 : i32
    %jit3A_342 = arith.constant 8 : i32
    %broadcast_in_dim3A_343 = vector.broadcast %jit3A_341 : i32 to vector<512x128xi32>
    %broadcast_in_dim3A_344 = vector.broadcast %jit3A_342 : i32 to vector<512x128xi32>
    %select_n3A_345 = arith.select %lt3A_339, %broadcast_in_dim3A_343, %broadcast_in_dim3A_344 : vector<512x128xi1>, vector<512x128xi32>
    %get3A_346 = arith.constant 5248 : index
    %get3A_347 = vector.load %arg2[%get3A_346] : memref<8192xf32, #tpu.memory_space<vmem>>, vector<128xf32>
    %broadcast_in_dim3A_348 = vector.shape_cast %get3A_347 : vector<128xf32> to vector<1x128xf32>
    %add3A_349 = vector.broadcast %broadcast_in_dim3A : vector<512x1xf32> to vector<512x128xf32>
    %add3A_350 = vector.broadcast %broadcast_in_dim3A_348 : vector<1x128xf32> to vector<512x128xf32>
    %add3A_351 = arith.addf %add3A_349, %add3A_350 : vector<512x128xf32>
    %slice3A_352 = vector.extract_strided_slice %dot_general3A_17 {offsets = [0, 1152], sizes = [512, 128], strides = [1, 1]} : vector<512x2048xf32> to vector<512x128xf32>
    %sub3A_353 = arith.subf %add3A_351, %slice3A_352 : vector<512x128xf32>
    %get3A_354 = arith.constant 5760 : index
    %get3A_355 = vector.load %arg2[%get3A_354] : memref<8192xf32, #tpu.memory_space<vmem>>, vector<128xf32>
    %broadcast_in_dim3A_356 = vector.shape_cast %get3A_355 : vector<128xf32> to vector<1x128xf32>
    %add3A_357 = vector.broadcast %broadcast_in_dim3A : vector<512x1xf32> to vector<512x128xf32>
    %add3A_358 = vector.broadcast %broadcast_in_dim3A_356 : vector<1x128xf32> to vector<512x128xf32>
    %add3A_359 = arith.addf %add3A_357, %add3A_358 : vector<512x128xf32>
    %slice3A_360 = vector.extract_strided_slice %dot_general3A_17 {offsets = [0, 1664], sizes = [512, 128], strides = [1, 1]} : vector<512x2048xf32> to vector<512x128xf32>
    %sub3A_361 = arith.subf %add3A_359, %slice3A_360 : vector<512x128xf32>
    %lt3A_362 = arith.cmpf olt, %sub3A_361, %sub3A_353 : vector<512x128xf32>
    %select_n3A_363 = arith.select %lt3A_362, %sub3A_361, %sub3A_353 : vector<512x128xi1>, vector<512x128xf32>
    %jit3A_364 = arith.constant 11 : i32
    %jit3A_365 = arith.constant 10 : i32
    %broadcast_in_dim3A_366 = vector.broadcast %jit3A_364 : i32 to vector<512x128xi32>
    %broadcast_in_dim3A_367 = vector.broadcast %jit3A_365 : i32 to vector<512x128xi32>
    %select_n3A_368 = arith.select %lt3A_362, %broadcast_in_dim3A_366, %broadcast_in_dim3A_367 : vector<512x128xi1>, vector<512x128xi32>
    %lt3A_369 = arith.cmpf olt, %select_n3A_363, %select_n3A_340 : vector<512x128xf32>
    %select_n3A_370 = arith.select %lt3A_369, %select_n3A_363, %select_n3A_340 : vector<512x128xi1>, vector<512x128xf32>
    %select_n3A_371 = arith.select %lt3A_369, %select_n3A_368, %select_n3A_345 : vector<512x128xi1>, vector<512x128xi32>
    %get3A_372 = arith.constant 6272 : index
    %get3A_373 = vector.load %arg2[%get3A_372] : memref<8192xf32, #tpu.memory_space<vmem>>, vector<128xf32>
    %broadcast_in_dim3A_374 = vector.shape_cast %get3A_373 : vector<128xf32> to vector<1x128xf32>
    %add3A_375 = vector.broadcast %broadcast_in_dim3A : vector<512x1xf32> to vector<512x128xf32>
    %add3A_376 = vector.broadcast %broadcast_in_dim3A_374 : vector<1x128xf32> to vector<512x128xf32>
    %add3A_377 = arith.addf %add3A_375, %add3A_376 : vector<512x128xf32>
    %slice3A_378 = vector.extract_strided_slice %dot_general3A_22 {offsets = [0, 128], sizes = [512, 128], strides = [1, 1]} : vector<512x2048xf32> to vector<512x128xf32>
    %sub3A_379 = arith.subf %add3A_377, %slice3A_378 : vector<512x128xf32>
    %get3A_380 = arith.constant 6784 : index
    %get3A_381 = vector.load %arg2[%get3A_380] : memref<8192xf32, #tpu.memory_space<vmem>>, vector<128xf32>
    %broadcast_in_dim3A_382 = vector.shape_cast %get3A_381 : vector<128xf32> to vector<1x128xf32>
    %add3A_383 = vector.broadcast %broadcast_in_dim3A : vector<512x1xf32> to vector<512x128xf32>
    %add3A_384 = vector.broadcast %broadcast_in_dim3A_382 : vector<1x128xf32> to vector<512x128xf32>
    %add3A_385 = arith.addf %add3A_383, %add3A_384 : vector<512x128xf32>
    %slice3A_386 = vector.extract_strided_slice %dot_general3A_22 {offsets = [0, 640], sizes = [512, 128], strides = [1, 1]} : vector<512x2048xf32> to vector<512x128xf32>
    %sub3A_387 = arith.subf %add3A_385, %slice3A_386 : vector<512x128xf32>
    %lt3A_388 = arith.cmpf olt, %sub3A_387, %sub3A_379 : vector<512x128xf32>
    %select_n3A_389 = arith.select %lt3A_388, %sub3A_387, %sub3A_379 : vector<512x128xi1>, vector<512x128xf32>
    %jit3A_390 = arith.constant 13 : i32
    %jit3A_391 = arith.constant 12 : i32
    %broadcast_in_dim3A_392 = vector.broadcast %jit3A_390 : i32 to vector<512x128xi32>
    %broadcast_in_dim3A_393 = vector.broadcast %jit3A_391 : i32 to vector<512x128xi32>
    %select_n3A_394 = arith.select %lt3A_388, %broadcast_in_dim3A_392, %broadcast_in_dim3A_393 : vector<512x128xi1>, vector<512x128xi32>
    %get3A_395 = arith.constant 7296 : index
    %get3A_396 = vector.load %arg2[%get3A_395] : memref<8192xf32, #tpu.memory_space<vmem>>, vector<128xf32>
    %broadcast_in_dim3A_397 = vector.shape_cast %get3A_396 : vector<128xf32> to vector<1x128xf32>
    %add3A_398 = vector.broadcast %broadcast_in_dim3A : vector<512x1xf32> to vector<512x128xf32>
    %add3A_399 = vector.broadcast %broadcast_in_dim3A_397 : vector<1x128xf32> to vector<512x128xf32>
    %add3A_400 = arith.addf %add3A_398, %add3A_399 : vector<512x128xf32>
    %slice3A_401 = vector.extract_strided_slice %dot_general3A_22 {offsets = [0, 1152], sizes = [512, 128], strides = [1, 1]} : vector<512x2048xf32> to vector<512x128xf32>
    %sub3A_402 = arith.subf %add3A_400, %slice3A_401 : vector<512x128xf32>
    %get3A_403 = arith.constant 7808 : index
    %get3A_404 = vector.load %arg2[%get3A_403] : memref<8192xf32, #tpu.memory_space<vmem>>, vector<128xf32>
    %broadcast_in_dim3A_405 = vector.shape_cast %get3A_404 : vector<128xf32> to vector<1x128xf32>
    %add3A_406 = vector.broadcast %broadcast_in_dim3A : vector<512x1xf32> to vector<512x128xf32>
    %add3A_407 = vector.broadcast %broadcast_in_dim3A_405 : vector<1x128xf32> to vector<512x128xf32>
    %add3A_408 = arith.addf %add3A_406, %add3A_407 : vector<512x128xf32>
    %slice3A_409 = vector.extract_strided_slice %dot_general3A_22 {offsets = [0, 1664], sizes = [512, 128], strides = [1, 1]} : vector<512x2048xf32> to vector<512x128xf32>
    %sub3A_410 = arith.subf %add3A_408, %slice3A_409 : vector<512x128xf32>
    %lt3A_411 = arith.cmpf olt, %sub3A_410, %sub3A_402 : vector<512x128xf32>
    %select_n3A_412 = arith.select %lt3A_411, %sub3A_410, %sub3A_402 : vector<512x128xi1>, vector<512x128xf32>
    %jit3A_413 = arith.constant 15 : i32
    %jit3A_414 = arith.constant 14 : i32
    %broadcast_in_dim3A_415 = vector.broadcast %jit3A_413 : i32 to vector<512x128xi32>
    %broadcast_in_dim3A_416 = vector.broadcast %jit3A_414 : i32 to vector<512x128xi32>
    %select_n3A_417 = arith.select %lt3A_411, %broadcast_in_dim3A_415, %broadcast_in_dim3A_416 : vector<512x128xi1>, vector<512x128xi32>
    %lt3A_418 = arith.cmpf olt, %select_n3A_412, %select_n3A_389 : vector<512x128xf32>
    %select_n3A_419 = arith.select %lt3A_418, %select_n3A_412, %select_n3A_389 : vector<512x128xi1>, vector<512x128xf32>
    %select_n3A_420 = arith.select %lt3A_418, %select_n3A_417, %select_n3A_394 : vector<512x128xi1>, vector<512x128xi32>
    %lt3A_421 = arith.cmpf olt, %select_n3A_419, %select_n3A_370 : vector<512x128xf32>
    %select_n3A_422 = arith.select %lt3A_421, %select_n3A_419, %select_n3A_370 : vector<512x128xi1>, vector<512x128xf32>
    %select_n3A_423 = arith.select %lt3A_421, %select_n3A_420, %select_n3A_371 : vector<512x128xi1>, vector<512x128xi32>
    %lt3A_424 = arith.cmpf olt, %select_n3A_422, %select_n3A_321 : vector<512x128xf32>
    %select_n3A_425 = arith.select %lt3A_424, %select_n3A_422, %select_n3A_321 : vector<512x128xi1>, vector<512x128xf32>
    %select_n3A_426 = arith.select %lt3A_424, %select_n3A_423, %select_n3A_322 : vector<512x128xi1>, vector<512x128xi32>
    %get3A_427 = arith.constant 256 : index
    %get3A_428 = vector.load %arg2[%get3A_427] : memref<8192xf32, #tpu.memory_space<vmem>>, vector<128xf32>
    %broadcast_in_dim3A_429 = vector.shape_cast %get3A_428 : vector<128xf32> to vector<1x128xf32>
    %add3A_430 = vector.broadcast %broadcast_in_dim3A : vector<512x1xf32> to vector<512x128xf32>
    %add3A_431 = vector.broadcast %broadcast_in_dim3A_429 : vector<1x128xf32> to vector<512x128xf32>
    %add3A_432 = arith.addf %add3A_430, %add3A_431 : vector<512x128xf32>
    %slice3A_433 = vector.extract_strided_slice %dot_general3A_7 {offsets = [0, 256], sizes = [512, 128], strides = [1, 1]} : vector<512x2048xf32> to vector<512x128xf32>
    %sub3A_434 = arith.subf %add3A_432, %slice3A_433 : vector<512x128xf32>
    %get3A_435 = arith.constant 768 : index
    %get3A_436 = vector.load %arg2[%get3A_435] : memref<8192xf32, #tpu.memory_space<vmem>>, vector<128xf32>
    %broadcast_in_dim3A_437 = vector.shape_cast %get3A_436 : vector<128xf32> to vector<1x128xf32>
    %add3A_438 = vector.broadcast %broadcast_in_dim3A : vector<512x1xf32> to vector<512x128xf32>
    %add3A_439 = vector.broadcast %broadcast_in_dim3A_437 : vector<1x128xf32> to vector<512x128xf32>
    %add3A_440 = arith.addf %add3A_438, %add3A_439 : vector<512x128xf32>
    %slice3A_441 = vector.extract_strided_slice %dot_general3A_7 {offsets = [0, 768], sizes = [512, 128], strides = [1, 1]} : vector<512x2048xf32> to vector<512x128xf32>
    %sub3A_442 = arith.subf %add3A_440, %slice3A_441 : vector<512x128xf32>
    %lt3A_443 = arith.cmpf olt, %sub3A_442, %sub3A_434 : vector<512x128xf32>
    %select_n3A_444 = arith.select %lt3A_443, %sub3A_442, %sub3A_434 : vector<512x128xi1>, vector<512x128xf32>
    %jit3A_445 = arith.constant 1 : i32
    %jit3A_446 = arith.constant 0 : i32
    %broadcast_in_dim3A_447 = vector.broadcast %jit3A_445 : i32 to vector<512x128xi32>
    %broadcast_in_dim3A_448 = vector.broadcast %jit3A_446 : i32 to vector<512x128xi32>
    %select_n3A_449 = arith.select %lt3A_443, %broadcast_in_dim3A_447, %broadcast_in_dim3A_448 : vector<512x128xi1>, vector<512x128xi32>
    %get3A_450 = arith.constant 1280 : index
    %get3A_451 = vector.load %arg2[%get3A_450] : memref<8192xf32, #tpu.memory_space<vmem>>, vector<128xf32>
    %broadcast_in_dim3A_452 = vector.shape_cast %get3A_451 : vector<128xf32> to vector<1x128xf32>
    %add3A_453 = vector.broadcast %broadcast_in_dim3A : vector<512x1xf32> to vector<512x128xf32>
    %add3A_454 = vector.broadcast %broadcast_in_dim3A_452 : vector<1x128xf32> to vector<512x128xf32>
    %add3A_455 = arith.addf %add3A_453, %add3A_454 : vector<512x128xf32>
    %slice3A_456 = vector.extract_strided_slice %dot_general3A_7 {offsets = [0, 1280], sizes = [512, 128], strides = [1, 1]} : vector<512x2048xf32> to vector<512x128xf32>
    %sub3A_457 = arith.subf %add3A_455, %slice3A_456 : vector<512x128xf32>
    %get3A_458 = arith.constant 1792 : index
    %get3A_459 = vector.load %arg2[%get3A_458] : memref<8192xf32, #tpu.memory_space<vmem>>, vector<128xf32>
    %broadcast_in_dim3A_460 = vector.shape_cast %get3A_459 : vector<128xf32> to vector<1x128xf32>
    %add3A_461 = vector.broadcast %broadcast_in_dim3A : vector<512x1xf32> to vector<512x128xf32>
    %add3A_462 = vector.broadcast %broadcast_in_dim3A_460 : vector<1x128xf32> to vector<512x128xf32>
    %add3A_463 = arith.addf %add3A_461, %add3A_462 : vector<512x128xf32>
    %slice3A_464 = vector.extract_strided_slice %dot_general3A_7 {offsets = [0, 1792], sizes = [512, 128], strides = [1, 1]} : vector<512x2048xf32> to vector<512x128xf32>
    %sub3A_465 = arith.subf %add3A_463, %slice3A_464 : vector<512x128xf32>
    %lt3A_466 = arith.cmpf olt, %sub3A_465, %sub3A_457 : vector<512x128xf32>
    %select_n3A_467 = arith.select %lt3A_466, %sub3A_465, %sub3A_457 : vector<512x128xi1>, vector<512x128xf32>
    %jit3A_468 = arith.constant 3 : i32
    %jit3A_469 = arith.constant 2 : i32
    %broadcast_in_dim3A_470 = vector.broadcast %jit3A_468 : i32 to vector<512x128xi32>
    %broadcast_in_dim3A_471 = vector.broadcast %jit3A_469 : i32 to vector<512x128xi32>
    %select_n3A_472 = arith.select %lt3A_466, %broadcast_in_dim3A_470, %broadcast_in_dim3A_471 : vector<512x128xi1>, vector<512x128xi32>
    %lt3A_473 = arith.cmpf olt, %select_n3A_467, %select_n3A_444 : vector<512x128xf32>
    %select_n3A_474 = arith.select %lt3A_473, %select_n3A_467, %select_n3A_444 : vector<512x128xi1>, vector<512x128xf32>
    %select_n3A_475 = arith.select %lt3A_473, %select_n3A_472, %select_n3A_449 : vector<512x128xi1>, vector<512x128xi32>
    %get3A_476 = arith.constant 2304 : index
    %get3A_477 = vector.load %arg2[%get3A_476] : memref<8192xf32, #tpu.memory_space<vmem>>, vector<128xf32>
    %broadcast_in_dim3A_478 = vector.shape_cast %get3A_477 : vector<128xf32> to vector<1x128xf32>
    %add3A_479 = vector.broadcast %broadcast_in_dim3A : vector<512x1xf32> to vector<512x128xf32>
    %add3A_480 = vector.broadcast %broadcast_in_dim3A_478 : vector<1x128xf32> to vector<512x128xf32>
    %add3A_481 = arith.addf %add3A_479, %add3A_480 : vector<512x128xf32>
    %slice3A_482 = vector.extract_strided_slice %dot_general3A_12 {offsets = [0, 256], sizes = [512, 128], strides = [1, 1]} : vector<512x2048xf32> to vector<512x128xf32>
    %sub3A_483 = arith.subf %add3A_481, %slice3A_482 : vector<512x128xf32>
    %get3A_484 = arith.constant 2816 : index
    %get3A_485 = vector.load %arg2[%get3A_484] : memref<8192xf32, #tpu.memory_space<vmem>>, vector<128xf32>
    %broadcast_in_dim3A_486 = vector.shape_cast %get3A_485 : vector<128xf32> to vector<1x128xf32>
    %add3A_487 = vector.broadcast %broadcast_in_dim3A : vector<512x1xf32> to vector<512x128xf32>
    %add3A_488 = vector.broadcast %broadcast_in_dim3A_486 : vector<1x128xf32> to vector<512x128xf32>
    %add3A_489 = arith.addf %add3A_487, %add3A_488 : vector<512x128xf32>
    %slice3A_490 = vector.extract_strided_slice %dot_general3A_12 {offsets = [0, 768], sizes = [512, 128], strides = [1, 1]} : vector<512x2048xf32> to vector<512x128xf32>
    %sub3A_491 = arith.subf %add3A_489, %slice3A_490 : vector<512x128xf32>
    %lt3A_492 = arith.cmpf olt, %sub3A_491, %sub3A_483 : vector<512x128xf32>
    %select_n3A_493 = arith.select %lt3A_492, %sub3A_491, %sub3A_483 : vector<512x128xi1>, vector<512x128xf32>
    %jit3A_494 = arith.constant 5 : i32
    %jit3A_495 = arith.constant 4 : i32
    %broadcast_in_dim3A_496 = vector.broadcast %jit3A_494 : i32 to vector<512x128xi32>
    %broadcast_in_dim3A_497 = vector.broadcast %jit3A_495 : i32 to vector<512x128xi32>
    %select_n3A_498 = arith.select %lt3A_492, %broadcast_in_dim3A_496, %broadcast_in_dim3A_497 : vector<512x128xi1>, vector<512x128xi32>
    %get3A_499 = arith.constant 3328 : index
    %get3A_500 = vector.load %arg2[%get3A_499] : memref<8192xf32, #tpu.memory_space<vmem>>, vector<128xf32>
    %broadcast_in_dim3A_501 = vector.shape_cast %get3A_500 : vector<128xf32> to vector<1x128xf32>
    %add3A_502 = vector.broadcast %broadcast_in_dim3A : vector<512x1xf32> to vector<512x128xf32>
    %add3A_503 = vector.broadcast %broadcast_in_dim3A_501 : vector<1x128xf32> to vector<512x128xf32>
    %add3A_504 = arith.addf %add3A_502, %add3A_503 : vector<512x128xf32>
    %slice3A_505 = vector.extract_strided_slice %dot_general3A_12 {offsets = [0, 1280], sizes = [512, 128], strides = [1, 1]} : vector<512x2048xf32> to vector<512x128xf32>
    %sub3A_506 = arith.subf %add3A_504, %slice3A_505 : vector<512x128xf32>
    %get3A_507 = arith.constant 3840 : index
    %get3A_508 = vector.load %arg2[%get3A_507] : memref<8192xf32, #tpu.memory_space<vmem>>, vector<128xf32>
    %broadcast_in_dim3A_509 = vector.shape_cast %get3A_508 : vector<128xf32> to vector<1x128xf32>
    %add3A_510 = vector.broadcast %broadcast_in_dim3A : vector<512x1xf32> to vector<512x128xf32>
    %add3A_511 = vector.broadcast %broadcast_in_dim3A_509 : vector<1x128xf32> to vector<512x128xf32>
    %add3A_512 = arith.addf %add3A_510, %add3A_511 : vector<512x128xf32>
    %slice3A_513 = vector.extract_strided_slice %dot_general3A_12 {offsets = [0, 1792], sizes = [512, 128], strides = [1, 1]} : vector<512x2048xf32> to vector<512x128xf32>
    %sub3A_514 = arith.subf %add3A_512, %slice3A_513 : vector<512x128xf32>
    %lt3A_515 = arith.cmpf olt, %sub3A_514, %sub3A_506 : vector<512x128xf32>
    %select_n3A_516 = arith.select %lt3A_515, %sub3A_514, %sub3A_506 : vector<512x128xi1>, vector<512x128xf32>
    %jit3A_517 = arith.constant 7 : i32
    %jit3A_518 = arith.constant 6 : i32
    %broadcast_in_dim3A_519 = vector.broadcast %jit3A_517 : i32 to vector<512x128xi32>
    %broadcast_in_dim3A_520 = vector.broadcast %jit3A_518 : i32 to vector<512x128xi32>
    %select_n3A_521 = arith.select %lt3A_515, %broadcast_in_dim3A_519, %broadcast_in_dim3A_520 : vector<512x128xi1>, vector<512x128xi32>
    %lt3A_522 = arith.cmpf olt, %select_n3A_516, %select_n3A_493 : vector<512x128xf32>
    %select_n3A_523 = arith.select %lt3A_522, %select_n3A_516, %select_n3A_493 : vector<512x128xi1>, vector<512x128xf32>
    %select_n3A_524 = arith.select %lt3A_522, %select_n3A_521, %select_n3A_498 : vector<512x128xi1>, vector<512x128xi32>
    %lt3A_525 = arith.cmpf olt, %select_n3A_523, %select_n3A_474 : vector<512x128xf32>
    %select_n3A_526 = arith.select %lt3A_525, %select_n3A_523, %select_n3A_474 : vector<512x128xi1>, vector<512x128xf32>
    %select_n3A_527 = arith.select %lt3A_525, %select_n3A_524, %select_n3A_475 : vector<512x128xi1>, vector<512x128xi32>
    %get3A_528 = arith.constant 4352 : index
    %get3A_529 = vector.load %arg2[%get3A_528] : memref<8192xf32, #tpu.memory_space<vmem>>, vector<128xf32>
    %broadcast_in_dim3A_530 = vector.shape_cast %get3A_529 : vector<128xf32> to vector<1x128xf32>
    %add3A_531 = vector.broadcast %broadcast_in_dim3A : vector<512x1xf32> to vector<512x128xf32>
    %add3A_532 = vector.broadcast %broadcast_in_dim3A_530 : vector<1x128xf32> to vector<512x128xf32>
    %add3A_533 = arith.addf %add3A_531, %add3A_532 : vector<512x128xf32>
    %slice3A_534 = vector.extract_strided_slice %dot_general3A_17 {offsets = [0, 256], sizes = [512, 128], strides = [1, 1]} : vector<512x2048xf32> to vector<512x128xf32>
    %sub3A_535 = arith.subf %add3A_533, %slice3A_534 : vector<512x128xf32>
    %get3A_536 = arith.constant 4864 : index
    %get3A_537 = vector.load %arg2[%get3A_536] : memref<8192xf32, #tpu.memory_space<vmem>>, vector<128xf32>
    %broadcast_in_dim3A_538 = vector.shape_cast %get3A_537 : vector<128xf32> to vector<1x128xf32>
    %add3A_539 = vector.broadcast %broadcast_in_dim3A : vector<512x1xf32> to vector<512x128xf32>
    %add3A_540 = vector.broadcast %broadcast_in_dim3A_538 : vector<1x128xf32> to vector<512x128xf32>
    %add3A_541 = arith.addf %add3A_539, %add3A_540 : vector<512x128xf32>
    %slice3A_542 = vector.extract_strided_slice %dot_general3A_17 {offsets = [0, 768], sizes = [512, 128], strides = [1, 1]} : vector<512x2048xf32> to vector<512x128xf32>
    %sub3A_543 = arith.subf %add3A_541, %slice3A_542 : vector<512x128xf32>
    %lt3A_544 = arith.cmpf olt, %sub3A_543, %sub3A_535 : vector<512x128xf32>
    %select_n3A_545 = arith.select %lt3A_544, %sub3A_543, %sub3A_535 : vector<512x128xi1>, vector<512x128xf32>
    %jit3A_546 = arith.constant 9 : i32
    %jit3A_547 = arith.constant 8 : i32
    %broadcast_in_dim3A_548 = vector.broadcast %jit3A_546 : i32 to vector<512x128xi32>
    %broadcast_in_dim3A_549 = vector.broadcast %jit3A_547 : i32 to vector<512x128xi32>
    %select_n3A_550 = arith.select %lt3A_544, %broadcast_in_dim3A_548, %broadcast_in_dim3A_549 : vector<512x128xi1>, vector<512x128xi32>
    %get3A_551 = arith.constant 5376 : index
    %get3A_552 = vector.load %arg2[%get3A_551] : memref<8192xf32, #tpu.memory_space<vmem>>, vector<128xf32>
    %broadcast_in_dim3A_553 = vector.shape_cast %get3A_552 : vector<128xf32> to vector<1x128xf32>
    %add3A_554 = vector.broadcast %broadcast_in_dim3A : vector<512x1xf32> to vector<512x128xf32>
    %add3A_555 = vector.broadcast %broadcast_in_dim3A_553 : vector<1x128xf32> to vector<512x128xf32>
    %add3A_556 = arith.addf %add3A_554, %add3A_555 : vector<512x128xf32>
    %slice3A_557 = vector.extract_strided_slice %dot_general3A_17 {offsets = [0, 1280], sizes = [512, 128], strides = [1, 1]} : vector<512x2048xf32> to vector<512x128xf32>
    %sub3A_558 = arith.subf %add3A_556, %slice3A_557 : vector<512x128xf32>
    %get3A_559 = arith.constant 5888 : index
    %get3A_560 = vector.load %arg2[%get3A_559] : memref<8192xf32, #tpu.memory_space<vmem>>, vector<128xf32>
    %broadcast_in_dim3A_561 = vector.shape_cast %get3A_560 : vector<128xf32> to vector<1x128xf32>
    %add3A_562 = vector.broadcast %broadcast_in_dim3A : vector<512x1xf32> to vector<512x128xf32>
    %add3A_563 = vector.broadcast %broadcast_in_dim3A_561 : vector<1x128xf32> to vector<512x128xf32>
    %add3A_564 = arith.addf %add3A_562, %add3A_563 : vector<512x128xf32>
    %slice3A_565 = vector.extract_strided_slice %dot_general3A_17 {offsets = [0, 1792], sizes = [512, 128], strides = [1, 1]} : vector<512x2048xf32> to vector<512x128xf32>
    %sub3A_566 = arith.subf %add3A_564, %slice3A_565 : vector<512x128xf32>
    %lt3A_567 = arith.cmpf olt, %sub3A_566, %sub3A_558 : vector<512x128xf32>
    %select_n3A_568 = arith.select %lt3A_567, %sub3A_566, %sub3A_558 : vector<512x128xi1>, vector<512x128xf32>
    %jit3A_569 = arith.constant 11 : i32
    %jit3A_570 = arith.constant 10 : i32
    %broadcast_in_dim3A_571 = vector.broadcast %jit3A_569 : i32 to vector<512x128xi32>
    %broadcast_in_dim3A_572 = vector.broadcast %jit3A_570 : i32 to vector<512x128xi32>
    %select_n3A_573 = arith.select %lt3A_567, %broadcast_in_dim3A_571, %broadcast_in_dim3A_572 : vector<512x128xi1>, vector<512x128xi32>
    %lt3A_574 = arith.cmpf olt, %select_n3A_568, %select_n3A_545 : vector<512x128xf32>
    %select_n3A_575 = arith.select %lt3A_574, %select_n3A_568, %select_n3A_545 : vector<512x128xi1>, vector<512x128xf32>
    %select_n3A_576 = arith.select %lt3A_574, %select_n3A_573, %select_n3A_550 : vector<512x128xi1>, vector<512x128xi32>
    %get3A_577 = arith.constant 6400 : index
    %get3A_578 = vector.load %arg2[%get3A_577] : memref<8192xf32, #tpu.memory_space<vmem>>, vector<128xf32>
    %broadcast_in_dim3A_579 = vector.shape_cast %get3A_578 : vector<128xf32> to vector<1x128xf32>
    %add3A_580 = vector.broadcast %broadcast_in_dim3A : vector<512x1xf32> to vector<512x128xf32>
    %add3A_581 = vector.broadcast %broadcast_in_dim3A_579 : vector<1x128xf32> to vector<512x128xf32>
    %add3A_582 = arith.addf %add3A_580, %add3A_581 : vector<512x128xf32>
    %slice3A_583 = vector.extract_strided_slice %dot_general3A_22 {offsets = [0, 256], sizes = [512, 128], strides = [1, 1]} : vector<512x2048xf32> to vector<512x128xf32>
    %sub3A_584 = arith.subf %add3A_582, %slice3A_583 : vector<512x128xf32>
    %get3A_585 = arith.constant 6912 : index
    %get3A_586 = vector.load %arg2[%get3A_585] : memref<8192xf32, #tpu.memory_space<vmem>>, vector<128xf32>
    %broadcast_in_dim3A_587 = vector.shape_cast %get3A_586 : vector<128xf32> to vector<1x128xf32>
    %add3A_588 = vector.broadcast %broadcast_in_dim3A : vector<512x1xf32> to vector<512x128xf32>
    %add3A_589 = vector.broadcast %broadcast_in_dim3A_587 : vector<1x128xf32> to vector<512x128xf32>
    %add3A_590 = arith.addf %add3A_588, %add3A_589 : vector<512x128xf32>
    %slice3A_591 = vector.extract_strided_slice %dot_general3A_22 {offsets = [0, 768], sizes = [512, 128], strides = [1, 1]} : vector<512x2048xf32> to vector<512x128xf32>
    %sub3A_592 = arith.subf %add3A_590, %slice3A_591 : vector<512x128xf32>
    %lt3A_593 = arith.cmpf olt, %sub3A_592, %sub3A_584 : vector<512x128xf32>
    %select_n3A_594 = arith.select %lt3A_593, %sub3A_592, %sub3A_584 : vector<512x128xi1>, vector<512x128xf32>
    %jit3A_595 = arith.constant 13 : i32
    %jit3A_596 = arith.constant 12 : i32
    %broadcast_in_dim3A_597 = vector.broadcast %jit3A_595 : i32 to vector<512x128xi32>
    %broadcast_in_dim3A_598 = vector.broadcast %jit3A_596 : i32 to vector<512x128xi32>
    %select_n3A_599 = arith.select %lt3A_593, %broadcast_in_dim3A_597, %broadcast_in_dim3A_598 : vector<512x128xi1>, vector<512x128xi32>
    %get3A_600 = arith.constant 7424 : index
    %get3A_601 = vector.load %arg2[%get3A_600] : memref<8192xf32, #tpu.memory_space<vmem>>, vector<128xf32>
    %broadcast_in_dim3A_602 = vector.shape_cast %get3A_601 : vector<128xf32> to vector<1x128xf32>
    %add3A_603 = vector.broadcast %broadcast_in_dim3A : vector<512x1xf32> to vector<512x128xf32>
    %add3A_604 = vector.broadcast %broadcast_in_dim3A_602 : vector<1x128xf32> to vector<512x128xf32>
    %add3A_605 = arith.addf %add3A_603, %add3A_604 : vector<512x128xf32>
    %slice3A_606 = vector.extract_strided_slice %dot_general3A_22 {offsets = [0, 1280], sizes = [512, 128], strides = [1, 1]} : vector<512x2048xf32> to vector<512x128xf32>
    %sub3A_607 = arith.subf %add3A_605, %slice3A_606 : vector<512x128xf32>
    %get3A_608 = arith.constant 7936 : index
    %get3A_609 = vector.load %arg2[%get3A_608] : memref<8192xf32, #tpu.memory_space<vmem>>, vector<128xf32>
    %broadcast_in_dim3A_610 = vector.shape_cast %get3A_609 : vector<128xf32> to vector<1x128xf32>
    %add3A_611 = vector.broadcast %broadcast_in_dim3A : vector<512x1xf32> to vector<512x128xf32>
    %add3A_612 = vector.broadcast %broadcast_in_dim3A_610 : vector<1x128xf32> to vector<512x128xf32>
    %add3A_613 = arith.addf %add3A_611, %add3A_612 : vector<512x128xf32>
    %slice3A_614 = vector.extract_strided_slice %dot_general3A_22 {offsets = [0, 1792], sizes = [512, 128], strides = [1, 1]} : vector<512x2048xf32> to vector<512x128xf32>
    %sub3A_615 = arith.subf %add3A_613, %slice3A_614 : vector<512x128xf32>
    %lt3A_616 = arith.cmpf olt, %sub3A_615, %sub3A_607 : vector<512x128xf32>
    %select_n3A_617 = arith.select %lt3A_616, %sub3A_615, %sub3A_607 : vector<512x128xi1>, vector<512x128xf32>
    %jit3A_618 = arith.constant 15 : i32
    %jit3A_619 = arith.constant 14 : i32
    %broadcast_in_dim3A_620 = vector.broadcast %jit3A_618 : i32 to vector<512x128xi32>
    %broadcast_in_dim3A_621 = vector.broadcast %jit3A_619 : i32 to vector<512x128xi32>
    %select_n3A_622 = arith.select %lt3A_616, %broadcast_in_dim3A_620, %broadcast_in_dim3A_621 : vector<512x128xi1>, vector<512x128xi32>
    %lt3A_623 = arith.cmpf olt, %select_n3A_617, %select_n3A_594 : vector<512x128xf32>
    %select_n3A_624 = arith.select %lt3A_623, %select_n3A_617, %select_n3A_594 : vector<512x128xi1>, vector<512x128xf32>
    %select_n3A_625 = arith.select %lt3A_623, %select_n3A_622, %select_n3A_599 : vector<512x128xi1>, vector<512x128xi32>
    %lt3A_626 = arith.cmpf olt, %select_n3A_624, %select_n3A_575 : vector<512x128xf32>
    %select_n3A_627 = arith.select %lt3A_626, %select_n3A_624, %select_n3A_575 : vector<512x128xi1>, vector<512x128xf32>
    %select_n3A_628 = arith.select %lt3A_626, %select_n3A_625, %select_n3A_576 : vector<512x128xi1>, vector<512x128xi32>
    %lt3A_629 = arith.cmpf olt, %select_n3A_627, %select_n3A_526 : vector<512x128xf32>
    %select_n3A_630 = arith.select %lt3A_629, %select_n3A_627, %select_n3A_526 : vector<512x128xi1>, vector<512x128xf32>
    %select_n3A_631 = arith.select %lt3A_629, %select_n3A_628, %select_n3A_527 : vector<512x128xi1>, vector<512x128xi32>
    %get3A_632 = arith.constant 384 : index
    %get3A_633 = vector.load %arg2[%get3A_632] : memref<8192xf32, #tpu.memory_space<vmem>>, vector<128xf32>
    %broadcast_in_dim3A_634 = vector.shape_cast %get3A_633 : vector<128xf32> to vector<1x128xf32>
    %add3A_635 = vector.broadcast %broadcast_in_dim3A : vector<512x1xf32> to vector<512x128xf32>
    %add3A_636 = vector.broadcast %broadcast_in_dim3A_634 : vector<1x128xf32> to vector<512x128xf32>
    %add3A_637 = arith.addf %add3A_635, %add3A_636 : vector<512x128xf32>
    %slice3A_638 = vector.extract_strided_slice %dot_general3A_7 {offsets = [0, 384], sizes = [512, 128], strides = [1, 1]} : vector<512x2048xf32> to vector<512x128xf32>
    %sub3A_639 = arith.subf %add3A_637, %slice3A_638 : vector<512x128xf32>
    %get3A_640 = arith.constant 896 : index
    %get3A_641 = vector.load %arg2[%get3A_640] : memref<8192xf32, #tpu.memory_space<vmem>>, vector<128xf32>
    %broadcast_in_dim3A_642 = vector.shape_cast %get3A_641 : vector<128xf32> to vector<1x128xf32>
    %add3A_643 = vector.broadcast %broadcast_in_dim3A : vector<512x1xf32> to vector<512x128xf32>
    %add3A_644 = vector.broadcast %broadcast_in_dim3A_642 : vector<1x128xf32> to vector<512x128xf32>
    %add3A_645 = arith.addf %add3A_643, %add3A_644 : vector<512x128xf32>
    %slice3A_646 = vector.extract_strided_slice %dot_general3A_7 {offsets = [0, 896], sizes = [512, 128], strides = [1, 1]} : vector<512x2048xf32> to vector<512x128xf32>
    %sub3A_647 = arith.subf %add3A_645, %slice3A_646 : vector<512x128xf32>
    %lt3A_648 = arith.cmpf olt, %sub3A_647, %sub3A_639 : vector<512x128xf32>
    %select_n3A_649 = arith.select %lt3A_648, %sub3A_647, %sub3A_639 : vector<512x128xi1>, vector<512x128xf32>
    %jit3A_650 = arith.constant 1 : i32
    %jit3A_651 = arith.constant 0 : i32
    %broadcast_in_dim3A_652 = vector.broadcast %jit3A_650 : i32 to vector<512x128xi32>
    %broadcast_in_dim3A_653 = vector.broadcast %jit3A_651 : i32 to vector<512x128xi32>
    %select_n3A_654 = arith.select %lt3A_648, %broadcast_in_dim3A_652, %broadcast_in_dim3A_653 : vector<512x128xi1>, vector<512x128xi32>
    %get3A_655 = arith.constant 1408 : index
    %get3A_656 = vector.load %arg2[%get3A_655] : memref<8192xf32, #tpu.memory_space<vmem>>, vector<128xf32>
    %broadcast_in_dim3A_657 = vector.shape_cast %get3A_656 : vector<128xf32> to vector<1x128xf32>
    %add3A_658 = vector.broadcast %broadcast_in_dim3A : vector<512x1xf32> to vector<512x128xf32>
    %add3A_659 = vector.broadcast %broadcast_in_dim3A_657 : vector<1x128xf32> to vector<512x128xf32>
    %add3A_660 = arith.addf %add3A_658, %add3A_659 : vector<512x128xf32>
    %slice3A_661 = vector.extract_strided_slice %dot_general3A_7 {offsets = [0, 1408], sizes = [512, 128], strides = [1, 1]} : vector<512x2048xf32> to vector<512x128xf32>
    %sub3A_662 = arith.subf %add3A_660, %slice3A_661 : vector<512x128xf32>
    %get3A_663 = arith.constant 1920 : index
    %get3A_664 = vector.load %arg2[%get3A_663] : memref<8192xf32, #tpu.memory_space<vmem>>, vector<128xf32>
    %broadcast_in_dim3A_665 = vector.shape_cast %get3A_664 : vector<128xf32> to vector<1x128xf32>
    %add3A_666 = vector.broadcast %broadcast_in_dim3A : vector<512x1xf32> to vector<512x128xf32>
    %add3A_667 = vector.broadcast %broadcast_in_dim3A_665 : vector<1x128xf32> to vector<512x128xf32>
    %add3A_668 = arith.addf %add3A_666, %add3A_667 : vector<512x128xf32>
    %slice3A_669 = vector.extract_strided_slice %dot_general3A_7 {offsets = [0, 1920], sizes = [512, 128], strides = [1, 1]} : vector<512x2048xf32> to vector<512x128xf32>
    %sub3A_670 = arith.subf %add3A_668, %slice3A_669 : vector<512x128xf32>
    %lt3A_671 = arith.cmpf olt, %sub3A_670, %sub3A_662 : vector<512x128xf32>
    %select_n3A_672 = arith.select %lt3A_671, %sub3A_670, %sub3A_662 : vector<512x128xi1>, vector<512x128xf32>
    %jit3A_673 = arith.constant 3 : i32
    %jit3A_674 = arith.constant 2 : i32
    %broadcast_in_dim3A_675 = vector.broadcast %jit3A_673 : i32 to vector<512x128xi32>
    %broadcast_in_dim3A_676 = vector.broadcast %jit3A_674 : i32 to vector<512x128xi32>
    %select_n3A_677 = arith.select %lt3A_671, %broadcast_in_dim3A_675, %broadcast_in_dim3A_676 : vector<512x128xi1>, vector<512x128xi32>
    %lt3A_678 = arith.cmpf olt, %select_n3A_672, %select_n3A_649 : vector<512x128xf32>
    %select_n3A_679 = arith.select %lt3A_678, %select_n3A_672, %select_n3A_649 : vector<512x128xi1>, vector<512x128xf32>
    %select_n3A_680 = arith.select %lt3A_678, %select_n3A_677, %select_n3A_654 : vector<512x128xi1>, vector<512x128xi32>
    %get3A_681 = arith.constant 2432 : index
    %get3A_682 = vector.load %arg2[%get3A_681] : memref<8192xf32, #tpu.memory_space<vmem>>, vector<128xf32>
    %broadcast_in_dim3A_683 = vector.shape_cast %get3A_682 : vector<128xf32> to vector<1x128xf32>
    %add3A_684 = vector.broadcast %broadcast_in_dim3A : vector<512x1xf32> to vector<512x128xf32>
    %add3A_685 = vector.broadcast %broadcast_in_dim3A_683 : vector<1x128xf32> to vector<512x128xf32>
    %add3A_686 = arith.addf %add3A_684, %add3A_685 : vector<512x128xf32>
    %slice3A_687 = vector.extract_strided_slice %dot_general3A_12 {offsets = [0, 384], sizes = [512, 128], strides = [1, 1]} : vector<512x2048xf32> to vector<512x128xf32>
    %sub3A_688 = arith.subf %add3A_686, %slice3A_687 : vector<512x128xf32>
    %get3A_689 = arith.constant 2944 : index
    %get3A_690 = vector.load %arg2[%get3A_689] : memref<8192xf32, #tpu.memory_space<vmem>>, vector<128xf32>
    %broadcast_in_dim3A_691 = vector.shape_cast %get3A_690 : vector<128xf32> to vector<1x128xf32>
    %add3A_692 = vector.broadcast %broadcast_in_dim3A : vector<512x1xf32> to vector<512x128xf32>
    %add3A_693 = vector.broadcast %broadcast_in_dim3A_691 : vector<1x128xf32> to vector<512x128xf32>
    %add3A_694 = arith.addf %add3A_692, %add3A_693 : vector<512x128xf32>
    %slice3A_695 = vector.extract_strided_slice %dot_general3A_12 {offsets = [0, 896], sizes = [512, 128], strides = [1, 1]} : vector<512x2048xf32> to vector<512x128xf32>
    %sub3A_696 = arith.subf %add3A_694, %slice3A_695 : vector<512x128xf32>
    %lt3A_697 = arith.cmpf olt, %sub3A_696, %sub3A_688 : vector<512x128xf32>
    %select_n3A_698 = arith.select %lt3A_697, %sub3A_696, %sub3A_688 : vector<512x128xi1>, vector<512x128xf32>
    %jit3A_699 = arith.constant 5 : i32
    %jit3A_700 = arith.constant 4 : i32
    %broadcast_in_dim3A_701 = vector.broadcast %jit3A_699 : i32 to vector<512x128xi32>
    %broadcast_in_dim3A_702 = vector.broadcast %jit3A_700 : i32 to vector<512x128xi32>
    %select_n3A_703 = arith.select %lt3A_697, %broadcast_in_dim3A_701, %broadcast_in_dim3A_702 : vector<512x128xi1>, vector<512x128xi32>
    %get3A_704 = arith.constant 3456 : index
    %get3A_705 = vector.load %arg2[%get3A_704] : memref<8192xf32, #tpu.memory_space<vmem>>, vector<128xf32>
    %broadcast_in_dim3A_706 = vector.shape_cast %get3A_705 : vector<128xf32> to vector<1x128xf32>
    %add3A_707 = vector.broadcast %broadcast_in_dim3A : vector<512x1xf32> to vector<512x128xf32>
    %add3A_708 = vector.broadcast %broadcast_in_dim3A_706 : vector<1x128xf32> to vector<512x128xf32>
    %add3A_709 = arith.addf %add3A_707, %add3A_708 : vector<512x128xf32>
    %slice3A_710 = vector.extract_strided_slice %dot_general3A_12 {offsets = [0, 1408], sizes = [512, 128], strides = [1, 1]} : vector<512x2048xf32> to vector<512x128xf32>
    %sub3A_711 = arith.subf %add3A_709, %slice3A_710 : vector<512x128xf32>
    %get3A_712 = arith.constant 3968 : index
    %get3A_713 = vector.load %arg2[%get3A_712] : memref<8192xf32, #tpu.memory_space<vmem>>, vector<128xf32>
    %broadcast_in_dim3A_714 = vector.shape_cast %get3A_713 : vector<128xf32> to vector<1x128xf32>
    %add3A_715 = vector.broadcast %broadcast_in_dim3A : vector<512x1xf32> to vector<512x128xf32>
    %add3A_716 = vector.broadcast %broadcast_in_dim3A_714 : vector<1x128xf32> to vector<512x128xf32>
    %add3A_717 = arith.addf %add3A_715, %add3A_716 : vector<512x128xf32>
    %slice3A_718 = vector.extract_strided_slice %dot_general3A_12 {offsets = [0, 1920], sizes = [512, 128], strides = [1, 1]} : vector<512x2048xf32> to vector<512x128xf32>
    %sub3A_719 = arith.subf %add3A_717, %slice3A_718 : vector<512x128xf32>
    %lt3A_720 = arith.cmpf olt, %sub3A_719, %sub3A_711 : vector<512x128xf32>
    %select_n3A_721 = arith.select %lt3A_720, %sub3A_719, %sub3A_711 : vector<512x128xi1>, vector<512x128xf32>
    %jit3A_722 = arith.constant 7 : i32
    %jit3A_723 = arith.constant 6 : i32
    %broadcast_in_dim3A_724 = vector.broadcast %jit3A_722 : i32 to vector<512x128xi32>
    %broadcast_in_dim3A_725 = vector.broadcast %jit3A_723 : i32 to vector<512x128xi32>
    %select_n3A_726 = arith.select %lt3A_720, %broadcast_in_dim3A_724, %broadcast_in_dim3A_725 : vector<512x128xi1>, vector<512x128xi32>
    %lt3A_727 = arith.cmpf olt, %select_n3A_721, %select_n3A_698 : vector<512x128xf32>
    %select_n3A_728 = arith.select %lt3A_727, %select_n3A_721, %select_n3A_698 : vector<512x128xi1>, vector<512x128xf32>
    %select_n3A_729 = arith.select %lt3A_727, %select_n3A_726, %select_n3A_703 : vector<512x128xi1>, vector<512x128xi32>
    %lt3A_730 = arith.cmpf olt, %select_n3A_728, %select_n3A_679 : vector<512x128xf32>
    %select_n3A_731 = arith.select %lt3A_730, %select_n3A_728, %select_n3A_679 : vector<512x128xi1>, vector<512x128xf32>
    %select_n3A_732 = arith.select %lt3A_730, %select_n3A_729, %select_n3A_680 : vector<512x128xi1>, vector<512x128xi32>
    %get3A_733 = arith.constant 4480 : index
    %get3A_734 = vector.load %arg2[%get3A_733] : memref<8192xf32, #tpu.memory_space<vmem>>, vector<128xf32>
    %broadcast_in_dim3A_735 = vector.shape_cast %get3A_734 : vector<128xf32> to vector<1x128xf32>
    %add3A_736 = vector.broadcast %broadcast_in_dim3A : vector<512x1xf32> to vector<512x128xf32>
    %add3A_737 = vector.broadcast %broadcast_in_dim3A_735 : vector<1x128xf32> to vector<512x128xf32>
    %add3A_738 = arith.addf %add3A_736, %add3A_737 : vector<512x128xf32>
    %slice3A_739 = vector.extract_strided_slice %dot_general3A_17 {offsets = [0, 384], sizes = [512, 128], strides = [1, 1]} : vector<512x2048xf32> to vector<512x128xf32>
    %sub3A_740 = arith.subf %add3A_738, %slice3A_739 : vector<512x128xf32>
    %get3A_741 = arith.constant 4992 : index
    %get3A_742 = vector.load %arg2[%get3A_741] : memref<8192xf32, #tpu.memory_space<vmem>>, vector<128xf32>
    %broadcast_in_dim3A_743 = vector.shape_cast %get3A_742 : vector<128xf32> to vector<1x128xf32>
    %add3A_744 = vector.broadcast %broadcast_in_dim3A : vector<512x1xf32> to vector<512x128xf32>
    %add3A_745 = vector.broadcast %broadcast_in_dim3A_743 : vector<1x128xf32> to vector<512x128xf32>
    %add3A_746 = arith.addf %add3A_744, %add3A_745 : vector<512x128xf32>
    %slice3A_747 = vector.extract_strided_slice %dot_general3A_17 {offsets = [0, 896], sizes = [512, 128], strides = [1, 1]} : vector<512x2048xf32> to vector<512x128xf32>
    %sub3A_748 = arith.subf %add3A_746, %slice3A_747 : vector<512x128xf32>
    %lt3A_749 = arith.cmpf olt, %sub3A_748, %sub3A_740 : vector<512x128xf32>
    %select_n3A_750 = arith.select %lt3A_749, %sub3A_748, %sub3A_740 : vector<512x128xi1>, vector<512x128xf32>
    %jit3A_751 = arith.constant 9 : i32
    %jit3A_752 = arith.constant 8 : i32
    %broadcast_in_dim3A_753 = vector.broadcast %jit3A_751 : i32 to vector<512x128xi32>
    %broadcast_in_dim3A_754 = vector.broadcast %jit3A_752 : i32 to vector<512x128xi32>
    %select_n3A_755 = arith.select %lt3A_749, %broadcast_in_dim3A_753, %broadcast_in_dim3A_754 : vector<512x128xi1>, vector<512x128xi32>
    %get3A_756 = arith.constant 5504 : index
    %get3A_757 = vector.load %arg2[%get3A_756] : memref<8192xf32, #tpu.memory_space<vmem>>, vector<128xf32>
    %broadcast_in_dim3A_758 = vector.shape_cast %get3A_757 : vector<128xf32> to vector<1x128xf32>
    %add3A_759 = vector.broadcast %broadcast_in_dim3A : vector<512x1xf32> to vector<512x128xf32>
    %add3A_760 = vector.broadcast %broadcast_in_dim3A_758 : vector<1x128xf32> to vector<512x128xf32>
    %add3A_761 = arith.addf %add3A_759, %add3A_760 : vector<512x128xf32>
    %slice3A_762 = vector.extract_strided_slice %dot_general3A_17 {offsets = [0, 1408], sizes = [512, 128], strides = [1, 1]} : vector<512x2048xf32> to vector<512x128xf32>
    %sub3A_763 = arith.subf %add3A_761, %slice3A_762 : vector<512x128xf32>
    %get3A_764 = arith.constant 6016 : index
    %get3A_765 = vector.load %arg2[%get3A_764] : memref<8192xf32, #tpu.memory_space<vmem>>, vector<128xf32>
    %broadcast_in_dim3A_766 = vector.shape_cast %get3A_765 : vector<128xf32> to vector<1x128xf32>
    %add3A_767 = vector.broadcast %broadcast_in_dim3A : vector<512x1xf32> to vector<512x128xf32>
    %add3A_768 = vector.broadcast %broadcast_in_dim3A_766 : vector<1x128xf32> to vector<512x128xf32>
    %add3A_769 = arith.addf %add3A_767, %add3A_768 : vector<512x128xf32>
    %slice3A_770 = vector.extract_strided_slice %dot_general3A_17 {offsets = [0, 1920], sizes = [512, 128], strides = [1, 1]} : vector<512x2048xf32> to vector<512x128xf32>
    %sub3A_771 = arith.subf %add3A_769, %slice3A_770 : vector<512x128xf32>
    %lt3A_772 = arith.cmpf olt, %sub3A_771, %sub3A_763 : vector<512x128xf32>
    %select_n3A_773 = arith.select %lt3A_772, %sub3A_771, %sub3A_763 : vector<512x128xi1>, vector<512x128xf32>
    %jit3A_774 = arith.constant 11 : i32
    %jit3A_775 = arith.constant 10 : i32
    %broadcast_in_dim3A_776 = vector.broadcast %jit3A_774 : i32 to vector<512x128xi32>
    %broadcast_in_dim3A_777 = vector.broadcast %jit3A_775 : i32 to vector<512x128xi32>
    %select_n3A_778 = arith.select %lt3A_772, %broadcast_in_dim3A_776, %broadcast_in_dim3A_777 : vector<512x128xi1>, vector<512x128xi32>
    %lt3A_779 = arith.cmpf olt, %select_n3A_773, %select_n3A_750 : vector<512x128xf32>
    %select_n3A_780 = arith.select %lt3A_779, %select_n3A_773, %select_n3A_750 : vector<512x128xi1>, vector<512x128xf32>
    %select_n3A_781 = arith.select %lt3A_779, %select_n3A_778, %select_n3A_755 : vector<512x128xi1>, vector<512x128xi32>
    %get3A_782 = arith.constant 6528 : index
    %get3A_783 = vector.load %arg2[%get3A_782] : memref<8192xf32, #tpu.memory_space<vmem>>, vector<128xf32>
    %broadcast_in_dim3A_784 = vector.shape_cast %get3A_783 : vector<128xf32> to vector<1x128xf32>
    %add3A_785 = vector.broadcast %broadcast_in_dim3A : vector<512x1xf32> to vector<512x128xf32>
    %add3A_786 = vector.broadcast %broadcast_in_dim3A_784 : vector<1x128xf32> to vector<512x128xf32>
    %add3A_787 = arith.addf %add3A_785, %add3A_786 : vector<512x128xf32>
    %slice3A_788 = vector.extract_strided_slice %dot_general3A_22 {offsets = [0, 384], sizes = [512, 128], strides = [1, 1]} : vector<512x2048xf32> to vector<512x128xf32>
    %sub3A_789 = arith.subf %add3A_787, %slice3A_788 : vector<512x128xf32>
    %get3A_790 = arith.constant 7040 : index
    %get3A_791 = vector.load %arg2[%get3A_790] : memref<8192xf32, #tpu.memory_space<vmem>>, vector<128xf32>
    %broadcast_in_dim3A_792 = vector.shape_cast %get3A_791 : vector<128xf32> to vector<1x128xf32>
    %add3A_793 = vector.broadcast %broadcast_in_dim3A : vector<512x1xf32> to vector<512x128xf32>
    %add3A_794 = vector.broadcast %broadcast_in_dim3A_792 : vector<1x128xf32> to vector<512x128xf32>
    %add3A_795 = arith.addf %add3A_793, %add3A_794 : vector<512x128xf32>
    %slice3A_796 = vector.extract_strided_slice %dot_general3A_22 {offsets = [0, 896], sizes = [512, 128], strides = [1, 1]} : vector<512x2048xf32> to vector<512x128xf32>
    %sub3A_797 = arith.subf %add3A_795, %slice3A_796 : vector<512x128xf32>
    %lt3A_798 = arith.cmpf olt, %sub3A_797, %sub3A_789 : vector<512x128xf32>
    %select_n3A_799 = arith.select %lt3A_798, %sub3A_797, %sub3A_789 : vector<512x128xi1>, vector<512x128xf32>
    %jit3A_800 = arith.constant 13 : i32
    %jit3A_801 = arith.constant 12 : i32
    %broadcast_in_dim3A_802 = vector.broadcast %jit3A_800 : i32 to vector<512x128xi32>
    %broadcast_in_dim3A_803 = vector.broadcast %jit3A_801 : i32 to vector<512x128xi32>
    %select_n3A_804 = arith.select %lt3A_798, %broadcast_in_dim3A_802, %broadcast_in_dim3A_803 : vector<512x128xi1>, vector<512x128xi32>
    %get3A_805 = arith.constant 7552 : index
    %get3A_806 = vector.load %arg2[%get3A_805] : memref<8192xf32, #tpu.memory_space<vmem>>, vector<128xf32>
    %broadcast_in_dim3A_807 = vector.shape_cast %get3A_806 : vector<128xf32> to vector<1x128xf32>
    %add3A_808 = vector.broadcast %broadcast_in_dim3A : vector<512x1xf32> to vector<512x128xf32>
    %add3A_809 = vector.broadcast %broadcast_in_dim3A_807 : vector<1x128xf32> to vector<512x128xf32>
    %add3A_810 = arith.addf %add3A_808, %add3A_809 : vector<512x128xf32>
    %slice3A_811 = vector.extract_strided_slice %dot_general3A_22 {offsets = [0, 1408], sizes = [512, 128], strides = [1, 1]} : vector<512x2048xf32> to vector<512x128xf32>
    %sub3A_812 = arith.subf %add3A_810, %slice3A_811 : vector<512x128xf32>
    %get3A_813 = arith.constant 8064 : index
    %get3A_814 = vector.load %arg2[%get3A_813] : memref<8192xf32, #tpu.memory_space<vmem>>, vector<128xf32>
    %broadcast_in_dim3A_815 = vector.shape_cast %get3A_814 : vector<128xf32> to vector<1x128xf32>
    %add3A_816 = vector.broadcast %broadcast_in_dim3A : vector<512x1xf32> to vector<512x128xf32>
    %add3A_817 = vector.broadcast %broadcast_in_dim3A_815 : vector<1x128xf32> to vector<512x128xf32>
    %add3A_818 = arith.addf %add3A_816, %add3A_817 : vector<512x128xf32>
    %slice3A_819 = vector.extract_strided_slice %dot_general3A_22 {offsets = [0, 1920], sizes = [512, 128], strides = [1, 1]} : vector<512x2048xf32> to vector<512x128xf32>
    %sub3A_820 = arith.subf %add3A_818, %slice3A_819 : vector<512x128xf32>
    %lt3A_821 = arith.cmpf olt, %sub3A_820, %sub3A_812 : vector<512x128xf32>
    %select_n3A_822 = arith.select %lt3A_821, %sub3A_820, %sub3A_812 : vector<512x128xi1>, vector<512x128xf32>
    %jit3A_823 = arith.constant 15 : i32
    %jit3A_824 = arith.constant 14 : i32
    %broadcast_in_dim3A_825 = vector.broadcast %jit3A_823 : i32 to vector<512x128xi32>
    %broadcast_in_dim3A_826 = vector.broadcast %jit3A_824 : i32 to vector<512x128xi32>
    %select_n3A_827 = arith.select %lt3A_821, %broadcast_in_dim3A_825, %broadcast_in_dim3A_826 : vector<512x128xi1>, vector<512x128xi32>
    %lt3A_828 = arith.cmpf olt, %select_n3A_822, %select_n3A_799 : vector<512x128xf32>
    %select_n3A_829 = arith.select %lt3A_828, %select_n3A_822, %select_n3A_799 : vector<512x128xi1>, vector<512x128xf32>
    %select_n3A_830 = arith.select %lt3A_828, %select_n3A_827, %select_n3A_804 : vector<512x128xi1>, vector<512x128xi32>
    %lt3A_831 = arith.cmpf olt, %select_n3A_829, %select_n3A_780 : vector<512x128xf32>
    %select_n3A_832 = arith.select %lt3A_831, %select_n3A_829, %select_n3A_780 : vector<512x128xi1>, vector<512x128xf32>
    %select_n3A_833 = arith.select %lt3A_831, %select_n3A_830, %select_n3A_781 : vector<512x128xi1>, vector<512x128xi32>
    %lt3A_834 = arith.cmpf olt, %select_n3A_832, %select_n3A_731 : vector<512x128xf32>
    %select_n3A_835 = arith.select %lt3A_834, %select_n3A_832, %select_n3A_731 : vector<512x128xi1>, vector<512x128xf32>
    %select_n3A_836 = arith.select %lt3A_834, %select_n3A_833, %select_n3A_732 : vector<512x128xi1>, vector<512x128xi32>
    %min3A = arith.minimumf %select_n3A_220, %select_n3A_425 : vector<512x128xf32>
    %min3A_837 = arith.minimumf %select_n3A_630, %select_n3A_835 : vector<512x128xf32>
    %min3A_838 = arith.minimumf %min3A, %min3A_837 : vector<512x128xf32>
    %reduce_min3A = arith.constant dense<0x7F800000> : vector<512xf32>
    %reduce_min3A_839 = vector.multi_reduction <minimumf>, %min3A_838, %reduce_min3A [1] : vector<512x128xf32> to vector<512xf32>
    %iota3A = tpu.iota {dimensions = array<i32: 1>} : vector<512x128xi32>
    %broadcast_in_dim3A_840 = arith.constant 1073741824 : i32
    %broadcast_in_dim3A_841 = vector.broadcast %broadcast_in_dim3A_840 : i32 to vector<512x128xi32>
    %mul3A = arith.constant 512 : i32
    %mul3A_842 = vector.broadcast %mul3A : i32 to vector<512x128xi32>
    %mul3A_843 = arith.muli %select_n3A_221, %mul3A_842 : vector<512x128xi32>
    %add3A_844 = arith.constant 0 : i32
    %add3A_845 = vector.broadcast %add3A_844 : i32 to vector<512x128xi32>
    %add3A_846 = arith.addi %iota3A, %add3A_845 : vector<512x128xi32>
    %add3A_847 = arith.addi %mul3A_843, %add3A_846 : vector<512x128xi32>
    %broadcast_in_dim3A_848 = vector.shape_cast %reduce_min3A_839 : vector<512xf32> to vector<512x1xf32>
    %eq3A = vector.broadcast %broadcast_in_dim3A_848 : vector<512x1xf32> to vector<512x128xf32>
    %eq3A_849 = arith.cmpf oeq, %select_n3A_220, %eq3A : vector<512x128xf32>
    %jit3A_850 = arith.constant 1073741824 : i32
    %broadcast_in_dim3A_851 = vector.broadcast %jit3A_850 : i32 to vector<512x128xi32>
    %select_n3A_852 = arith.select %eq3A_849, %add3A_847, %broadcast_in_dim3A_851 : vector<512x128xi1>, vector<512x128xi32>
    %min3A_853 = arith.minsi %broadcast_in_dim3A_841, %select_n3A_852 : vector<512x128xi32>
    %mul3A_854 = arith.constant 512 : i32
    %mul3A_855 = vector.broadcast %mul3A_854 : i32 to vector<512x128xi32>
    %mul3A_856 = arith.muli %select_n3A_426, %mul3A_855 : vector<512x128xi32>
    %add3A_857 = arith.constant 128 : i32
    %add3A_858 = vector.broadcast %add3A_857 : i32 to vector<512x128xi32>
    %add3A_859 = arith.addi %iota3A, %add3A_858 : vector<512x128xi32>
    %add3A_860 = arith.addi %mul3A_856, %add3A_859 : vector<512x128xi32>
    %broadcast_in_dim3A_861 = vector.shape_cast %reduce_min3A_839 : vector<512xf32> to vector<512x1xf32>
    %eq3A_862 = vector.broadcast %broadcast_in_dim3A_861 : vector<512x1xf32> to vector<512x128xf32>
    %eq3A_863 = arith.cmpf oeq, %select_n3A_425, %eq3A_862 : vector<512x128xf32>
    %jit3A_864 = arith.constant 1073741824 : i32
    %broadcast_in_dim3A_865 = vector.broadcast %jit3A_864 : i32 to vector<512x128xi32>
    %select_n3A_866 = arith.select %eq3A_863, %add3A_860, %broadcast_in_dim3A_865 : vector<512x128xi1>, vector<512x128xi32>
    %min3A_867 = arith.minsi %min3A_853, %select_n3A_866 : vector<512x128xi32>
    %mul3A_868 = arith.constant 512 : i32
    %mul3A_869 = vector.broadcast %mul3A_868 : i32 to vector<512x128xi32>
    %mul3A_870 = arith.muli %select_n3A_631, %mul3A_869 : vector<512x128xi32>
    %add3A_871 = arith.constant 256 : i32
    %add3A_872 = vector.broadcast %add3A_871 : i32 to vector<512x128xi32>
    %add3A_873 = arith.addi %iota3A, %add3A_872 : vector<512x128xi32>
    %add3A_874 = arith.addi %mul3A_870, %add3A_873 : vector<512x128xi32>
    %broadcast_in_dim3A_875 = vector.shape_cast %reduce_min3A_839 : vector<512xf32> to vector<512x1xf32>
    %eq3A_876 = vector.broadcast %broadcast_in_dim3A_875 : vector<512x1xf32> to vector<512x128xf32>
    %eq3A_877 = arith.cmpf oeq, %select_n3A_630, %eq3A_876 : vector<512x128xf32>
    %jit3A_878 = arith.constant 1073741824 : i32
    %broadcast_in_dim3A_879 = vector.broadcast %jit3A_878 : i32 to vector<512x128xi32>
    %select_n3A_880 = arith.select %eq3A_877, %add3A_874, %broadcast_in_dim3A_879 : vector<512x128xi1>, vector<512x128xi32>
    %min3A_881 = arith.minsi %min3A_867, %select_n3A_880 : vector<512x128xi32>
    %mul3A_882 = arith.constant 512 : i32
    %mul3A_883 = vector.broadcast %mul3A_882 : i32 to vector<512x128xi32>
    %mul3A_884 = arith.muli %select_n3A_836, %mul3A_883 : vector<512x128xi32>
    %add3A_885 = arith.constant 384 : i32
    %add3A_886 = vector.broadcast %add3A_885 : i32 to vector<512x128xi32>
    %add3A_887 = arith.addi %iota3A, %add3A_886 : vector<512x128xi32>
    %add3A_888 = arith.addi %mul3A_884, %add3A_887 : vector<512x128xi32>
    %broadcast_in_dim3A_889 = vector.shape_cast %reduce_min3A_839 : vector<512xf32> to vector<512x1xf32>
    %eq3A_890 = vector.broadcast %broadcast_in_dim3A_889 : vector<512x1xf32> to vector<512x128xf32>
    %eq3A_891 = arith.cmpf oeq, %select_n3A_835, %eq3A_890 : vector<512x128xf32>
    %jit3A_892 = arith.constant 1073741824 : i32
    %broadcast_in_dim3A_893 = vector.broadcast %jit3A_892 : i32 to vector<512x128xi32>
    %select_n3A_894 = arith.select %eq3A_891, %add3A_888, %broadcast_in_dim3A_893 : vector<512x128xi1>, vector<512x128xi32>
    %min3A_895 = arith.minsi %min3A_881, %select_n3A_894 : vector<512x128xi32>
    %reduce_min3A_896 = arith.constant dense<2147483647> : vector<512xi32>
    %reduce_min3A_897 = vector.multi_reduction <minsi>, %min3A_895, %reduce_min3A_896 [1] : vector<512x128xi32> to vector<512xi32>
    %swap3A = arith.constant 0 : index
    %swap3A_898 = arith.constant 0 : index
    %swap3A_899 = arith.constant 0 : index
    %swap3A_900 = vector.load %arg5[%swap3A, %swap3A_898, %swap3A_899] : memref<1x1x512xi32, #tpu.memory_space<vmem>>, vector<1x1x512xi32>
    %swap3A_901 = vector.shape_cast %swap3A_900 : vector<1x1x512xi32> to vector<512xi32>
    %swap3A_902 = vector.shape_cast %reduce_min3A_897 : vector<512xi32> to vector<1x1x512xi32>
    tpu.vector_store %arg5[%swap3A, %swap3A_898, %swap3A_899], %swap3A_902 {strides = array<i32>} : memref<1x1x512xi32, #tpu.memory_space<vmem>>, vector<1x1x512xi32>,
    %reduce_sum3A = vector.shape_cast %reduce_min3A_839 : vector<512xf32> to vector<1x512xf32>
    %reduce_sum3A_903 = arith.constant dense<0.000000e+00> : vector<1xf32>
    %reduce_sum3A_904 = vector.multi_reduction <add>, %reduce_sum3A, %reduce_sum3A_903 [1] : vector<1x512xf32> to vector<1xf32>
    %reduce_sum3A_905 = vector.shape_cast %reduce_sum3A_904 : vector<1xf32> to vector<1x1xf32>
    %reduce_sum3A_906 = vector.extract %reduce_sum3A_905[0, 0] : f32 from vector<1x1xf32>
    %eq3A_907 = arith.constant 0 : i32
    %eq3A_908 = arith.cmpi eq, %arg0, %eq3A_907 : i32
    %convert_element_type3A = arith.extui %eq3A_908 : i1 to i32
    %cond3A = arith.constant 0 : i32
    %cond3A_909 = arith.cmpi ne, %convert_element_type3A, %cond3A : i32
    scf.if %cond3A_909 {
      %swap3A_919 = arith.constant 0 : index
      %swap3A_920 = arith.constant 0 : index
      %swap3A_921 = memref.load %arg6[%swap3A_919, %swap3A_920] : memref<1x1xf32, #tpu.memory_space<smem>>
      memref.store %reduce_sum3A_906, %arg6[%swap3A_919, %swap3A_920] : memref<1x1xf32, #tpu.memory_space<smem>>
    } else {
    }
    %gt3A = arith.constant 0 : i32
    %gt3A_910 = arith.cmpi sgt, %arg0, %gt3A : i32
    %convert_element_type3A_911 = arith.extui %gt3A_910 : i1 to i32
    %cond3A_912 = arith.constant 0 : i32
    %cond3A_913 = arith.cmpi ne, %convert_element_type3A_911, %cond3A_912 : i32
    scf.if %cond3A_913 {
      %get3A_919 = arith.constant 0 : index
      %get3A_920 = arith.constant 0 : index
      %get3A_921 = memref.load %arg6[%get3A_919, %get3A_920] : memref<1x1xf32, #tpu.memory_space<smem>>
      %add3A_922 = arith.addf %get3A_921, %reduce_sum3A_906 : f32
      %swap3A_923 = arith.constant 0 : index
      %swap3A_924 = arith.constant 0 : index
      %swap3A_925 = memref.load %arg6[%swap3A_923, %swap3A_924] : memref<1x1xf32, #tpu.memory_space<smem>>
      memref.store %add3A_922, %arg6[%swap3A_923, %swap3A_924] : memref<1x1xf32, #tpu.memory_space<smem>>
    } else {
    }
    %eq3A_914 = arith.constant 17 : i32
    %eq3A_915 = arith.cmpi eq, %arg0, %eq3A_914 : i32
    %convert_element_type3A_916 = arith.extui %eq3A_915 : i1 to i32
    %cond3A_917 = arith.constant 0 : i32
    %cond3A_918 = arith.cmpi ne, %convert_element_type3A_916, %cond3A_917 : i32
    scf.if %cond3A_918 {
      %get3A_919 = arith.constant 0 : index
      %get3A_920 = arith.constant 0 : index
      %get3A_921 = memref.load %arg6[%get3A_919, %get3A_920] : memref<1x1xf32, #tpu.memory_space<smem>>
      %mul3A_922 = arith.constant 5.2981909E-7 : f32
      %mul3A_923 = arith.mulf %get3A_921, %mul3A_922 : f32
      %swap3A_924 = arith.constant 0 : index
      %swap3A_925 = arith.constant 0 : index
      %swap3A_926 = memref.load %arg6[%swap3A_924, %swap3A_925] : memref<1x1xf32, #tpu.memory_space<smem>>
      memref.store %mul3A_923, %arg6[%swap3A_924, %swap3A_925] : memref<1x1xf32, #tpu.memory_space<smem>>
    } else {
    }
    return
  }
  func.func @transform_0(%arg0: i32) -> i32 {
    %c0_i32 = arith.constant 0 : i32
    return %arg0 : i32
  }
  func.func @transform_1(%arg0: i32) -> i32 {
    %c0_i32 = arith.constant 0 : i32
    %c0_i32_0 = arith.constant 0 : i32
    return %c0_i32 : i32
  }
  func.func @transform_2(%arg0: i32) -> (i32, i32) {
    %c0_i32 = arith.constant 0 : i32
    %c0_i32_0 = arith.constant 0 : i32
    return %arg0, %c0_i32 : i32, i32
  }
  func.func @transform_3(%arg0: i32) -> (i32, i32) {
    %c0_i32 = arith.constant 0 : i32
    %c0_i32_0 = arith.constant 0 : i32
    %c0_i32_1 = arith.constant 0 : i32
    return %c0_i32, %c0_i32_0 : i32, i32
  }
  func.func @transform_4(%arg0: i32) -> (i32, i32, i32) {
    %c0_i32 = arith.constant 0 : i32
    %c0_i32_0 = arith.constant 0 : i32
    %c0_i32_1 = arith.constant 0 : i32
    return %arg0, %c0_i32, %c0_i32_0 : i32, i32, i32
  }
  func.func @transform_5(%arg0: i32) -> (i32, i32) {
    %c0_i32 = arith.constant 0 : i32
    %c0_i32_0 = arith.constant 0 : i32
    %c0_i32_1 = arith.constant 0 : i32
    return %c0_i32, %c0_i32_0 : i32, i32
  }
}

module attributes {stable_mosaic.version = 14 : i64} {
  func.func @_perp_body(%arg0: memref<16x1024xf32, #tpu.memory_space<vmem>>, %arg1: memref<1x1xf32, #tpu.memory_space<smem>>) attributes {dimension_semantics = [], scalar_prefetch = 0 : i64, scratch_operands = 0 : i64, tpu.core_type = #tpu.core_type<tc>} {
    %get3A = arith.constant 0 : index
    %get3A_0 = arith.constant 0 : index
    %get3A_1 = vector.load %arg0[%get3A, %get3A_0] : memref<16x1024xf32, #tpu.memory_space<vmem>>, vector<16x1024xf32>
    %slice3A = vector.extract_strided_slice %get3A_1 {offsets = [0, 0], sizes = [8, 1024], strides = [1, 1]} : vector<16x1024xf32> to vector<8x1024xf32>
    %slice3A_2 = vector.extract_strided_slice %get3A_1 {offsets = [8, 0], sizes = [8, 1024], strides = [1, 1]} : vector<16x1024xf32> to vector<8x1024xf32>
    %add3A = arith.addf %slice3A, %slice3A_2 : vector<8x1024xf32>
    %div3A = arith.constant 9.216000e+03 : f32
    %div3A_3 = vector.broadcast %div3A : f32 to vector<8x1024xf32>
    %div3A_4 = arith.divf %add3A, %div3A_3 : vector<8x1024xf32>
    %add3A_5 = arith.constant 9.99999996E-13 : f32
    %add3A_6 = vector.broadcast %add3A_5 : f32 to vector<8x1024xf32>
    %add3A_7 = arith.addf %div3A_4, %add3A_6 : vector<8x1024xf32>
    %log3A = math.log %add3A_7 : vector<8x1024xf32>
    %mul3A = arith.mulf %div3A_4, %log3A : vector<8x1024xf32>
    %reduce_sum3A = vector.shape_cast %mul3A : vector<8x1024xf32> to vector<1x8x1024xf32>
    %reduce_sum3A_8 = arith.constant dense<0.000000e+00> : vector<1xf32>
    %reduce_sum3A_9 = vector.multi_reduction <add>, %reduce_sum3A, %reduce_sum3A_8 [1, 2] : vector<1x8x1024xf32> to vector<1xf32>
    %reduce_sum3A_10 = vector.shape_cast %reduce_sum3A_9 : vector<1xf32> to vector<1x1x1xf32>
    %reduce_sum3A_11 = vector.extract %reduce_sum3A_10[0, 0, 0] : f32 from vector<1x1x1xf32>
    %neg3A = arith.constant 0.000000e+00 : f32
    %neg3A_12 = arith.subf %neg3A, %reduce_sum3A_11 : f32
    %exp3A = math.exp %neg3A_12 : f32
    %swap3A = arith.constant 0 : index
    %swap3A_13 = arith.constant 0 : index
    %swap3A_14 = memref.load %arg1[%swap3A, %swap3A_13] : memref<1x1xf32, #tpu.memory_space<smem>>
    memref.store %exp3A, %arg1[%swap3A, %swap3A_13] : memref<1x1xf32, #tpu.memory_space<smem>>
    return
  }
}

</mosaic_0001>

<sc_bundles>
// kernel: kernel.5.cloned.1.call-start
scs
__scs_entry_jumppad:
0x0: {  	(pc) =	sbr.rel $0x88, $3  }
0x1: {  	(tag) =	ssettag $0x0;
	lr =	simm.s32 $0x1  }
0x2: {  	[smem:$0x3F9F] =	sst lr;
	_ =	strace $0xD0000000  }
0x3: {  	_ = 	snop  }
0x4: {  	_ = 	snop  }
0x5: {  	_ = 	snop  }
0x6: {  	_ = 	snop  }
0x7: {  	_ = 	snop  }
__scs_overlays_trampoline_lowered:
0x8: {  	[smem:$0x3FAE] =	sst s0  }
0x9: {  	[smem:$0x3FAF] =	sst s1  }
0xa: {  	[smem:$0x3FB0] =	sst s2  }
0xb: {  	[smem:$0x3FB1] =	sst s3  }
0xc: {  	[smem:$0x3FB2] =	sst s4  }
0xd: {  	[smem:$0x3FB3] =	sst s5  }
0xe: {  	[smem:$0x3FB4] =	sst s6  }
0xf: {  	[smem:$0x3FB5] =	sst s7  }
0x10: {  	[smem:$0x3FB6] =	sst s8  }
0x11: {  	[smem:$0x3FB7] =	sst s9;
	s0 =	simm.s32 @!p0 $0x0  }
0x12: {  	s1 =	sld [smem:$0x3F9D];
	s0 =	simm.s32 @p0 $0x1  }
0x13: {  	[smem:$0x3FB8] =	sst s0;
	s0 =	simm.s32 @!p1 $0x0  }
0x14: {  	s2 =	sld [smem:$0x3F9C];
	s0 =	simm.s32 @p1 $0x1  }
0x15: {  	[smem:$0x3FB9] =	sst s0;
	s0 =	simm.s32 @!p2 $0x0  }
0x16: {  	s3 =	sld [smem:$0x3FDB];
	s0 =	simm.s32 @p2 $0x1  }
0x17: {  	s4 =	simm.s32 $0x1BF5;
	[smem:$0x3FBB] =	sst s0  }
0x18: {  	s0 =	sld [smem:$0x3F9E];
	_ =	swait.ge [sflag:s4], $0x0  }
0x19: {  	s7 =	sld [smem:$0x3F9F]  }
0x1a: {  	s8 =	sadd.s32 $0xFFFFE003, lr  }
0x1b: {  	s9 =	sadd.s32 $0xFFFFFEF7, lr;
	s5 =	simm.s32 $0xFFFFFFFF;
	p2 =	slt.u32 s8, $0xFFFFF086  }
0x1c: {  	p1 =	slt.u32 s9, $0xF7A;
	s5 =	simm.s32 @!p2 $0x0  }
0x1d: {  	s5 =	simm.s32 @p1 $0x1;
	p0 =	seq.s32 s7, s2  }
0x1e: {  	s7 =	smul.u32 @!p0 $0xF7A, s2;
	p2 =	seq.s32 @!p0 s5, $0x0  }
0x1f: {  	s9 =	smul.u32 $0xF7A, s1;
	s8 =	simm.s32 @!p0 $0x1BF5;
	p2 =	por !p2, p0  }
0x20: {  	[sflag:s8] =	ssyncset.s32 @!p0 $0xFFFFF086;
	s6 =	sadd.s32 @!p0 s3, s7;
	s7 =	simm.s32 @!p0 $0x108  }
0x21: {  	s3 =	sadd.s32 s3, s9;
	s6 =	sadd.s32 @!p0 $0x88, s6;
	s7 =	simm.s32 @p2 $0x1082  }
0x22: {  	[simem:s7], [sflag:s8] =	dma.local @!p0 [hbm:s6], $0xF7A  }
0x23: {  	s9 =	sor.u32 $0xD0000000, s2;
	s6 =	simm.s32 $0x108;
	_ =	swait.ge @!p0 [sflag:s8], $0x0  }
0x24: {  	s3 =	sadd.s32 $0x88, s3;
	s6 =	simm.s32 @!p1 $0x1082;
	[sflag:s4] =	ssyncset.s32 $0xFFFFF086  }
0x25: {  	[simem:s6], [sflag:s4] =	dma.local [hbm:s3], $0xF7A  }
0x26: {  	[smem:$0x3F9F] =	sst s1;
	(tag) =	ssettag s2;
	_ =	strace s9  }
0x27: {  	s1 =	sld [smem:$0x3FAF]  }
0x28: {  	s2 =	sld [smem:$0x3FB0]  }
0x29: {  	s4 =	sld [smem:$0x3FB2]  }
0x2a: {  	p0 =	seq.s32 s5, $0x0;
	s5 =	sld [smem:$0x3FB3]  }
0x2b: {  	s6 =	sld [smem:$0x3FB4]  }
0x2c: {  	s7 =	sld [smem:$0x3FB5]  }
0x2d: {  	s3 =	simm.s32 $0x108;
	s8 =	sld [smem:$0x3FB6]  }
0x2e: {  	s3 =	simm.s32 @!p0 $0x1082;
	s9 =	sld [smem:$0x3FB7]  }
0x2f: {  	lr =	sadd.s32 s0, s3;
	s0 =	sld [smem:$0x3FAE]  }
0x30: {  	s3 =	sld [smem:$0x3FB1]  }
0x31: {  	[smem:$0x3FBA] =	sst s10  }
0x32: {  	s10 =	sld [smem:$0x3FB8];
	_ =	sdelay $0x3  }
0x33: {  	p0 =	seq.s32 s10, $0x1;
	s10 =	sld [smem:$0x3FBA];
	_ =	sdelay $0x3  }
0x34: {  	[smem:$0x3FBA] =	sst s10  }
0x35: {  	s10 =	sld [smem:$0x3FB9];
	_ =	sdelay $0x3  }
0x36: {  	p1 =	seq.s32 s10, $0x1;
	s10 =	sld [smem:$0x3FBA];
	_ =	sdelay $0x3  }
0x37: {  	[smem:$0x3FBA] =	sst s10  }
0x38: {  	s10 =	sld [smem:$0x3FBB]  }
0x39: {  	_ = 	snop;
	(pc) =	sbr.ind lr, $3  }
0x3a: {  	_ = 	snop  }
0x3b: {  	_ = 	snop  }
0x3c: {  	p2 =	seq.s32 s10, $0x1;
	s10 =	sld [smem:$0x3FBA]  }
0x3d: {  	_ =	shalt  }
0x3e: {  	_ =	shalt  }
0x3f: {  	_ =	shalt  }
0x40: {  	_ =	shalt  }
0x41: {  	_ =	shalt  }
0x42: {  	_ =	shalt  }
0x43: {  	_ =	shalt  }
0x44: {  	_ =	shalt  }
0x45: {  	_ =	shalt  }
0x46: {  	_ =	shalt  }
0x47: {  	_ =	shalt  }
0x48: {  	_ =	shalt  }
0x49: {  	_ =	shalt  }
0x4a: {  	_ =	shalt  }
0x4b: {  	_ =	shalt  }
0x4c: {  	_ =	shalt  }
0x4d: {  	_ =	shalt  }
0x4e: {  	_ =	shalt  }
0x4f: {  	_ =	shalt  }
0x50: {  	_ =	shalt  }
0x51: {  	_ =	shalt  }
0x52: {  	_ =	shalt  }
0x53: {  	_ =	shalt  }
0x54: {  	_ =	shalt  }
0x55: {  	_ =	shalt  }
0x56: {  	_ =	shalt  }
0x57: {  	_ =	shalt  }
0x58: {  	_ =	shalt  }
0x59: {  	_ =	shalt  }
0x5a: {  	_ =	shalt  }
0x5b: {  	_ =	shalt  }
0x5c: {  	_ =	shalt  }
0x5d: {  	_ =	shalt  }
0x5e: {  	_ =	shalt  }
0x5f: {  	_ =	shalt  }
0x60: {  	_ =	shalt  }
0x61: {  	_ =	shalt  }
0x62: {  	_ =	shalt  }
0x63: {  	_ =	shalt  }
0x64: {  	_ =	shalt  }
0x65: {  	_ =	shalt  }
0x66: {  	_ =	shalt  }
0x67: {  	_ =	shalt  }
0x68: {  	_ =	shalt  }
0x69: {  	_ =	shalt  }
0x6a: {  	_ =	shalt  }
0x6b: {  	_ =	shalt  }
0x6c: {  	_ =	shalt  }
0x6d: {  	_ =	shalt  }
0x6e: {  	_ =	shalt  }
0x6f: {  	_ =	shalt  }
0x70: {  	_ =	shalt  }
0x71: {  	_ =	shalt  }
0x72: {  	_ =	shalt  }
0x73: {  	_ =	shalt  }
0x74: {  	_ =	shalt  }
0x75: {  	_ =	shalt  }
0x76: {  	_ =	shalt  }
0x77: {  	_ =	shalt  }
0x78: {  	_ =	shalt  }
0x79: {  	_ =	shalt  }
0x7a: {  	_ =	shalt  }
0x7b: {  	_ =	shalt  }
0x7c: {  	_ =	shalt  }
0x7d: {  	_ =	shalt  }
0x7e: {  	_ =	shalt  }
0x7f: {  	_ =	shalt  }
0x80: {  	_ =	shalt  }
0x81: {  	_ =	shalt  }
0x82: {  	_ =	shalt  }
0x83: {  	_ =	shalt  }
0x84: {  	_ =	shalt  }
0x85: {  	_ =	shalt  }
0x86: {  	_ =	shalt  }
0x87: {  	_ =	shalt  }
.Lfunc_end0:
.L_simem_size_0:
called_computation_lowered:
.L_overlay_start_0:
0x88: {  	s2 =	sld [smem:$0x3FD9]  }
0x89: {  	s3 =	sld [smem:$0x3FFE];
	_ =	sdelay $0x1  }
0x8a: {  	s1 =	srdreg.scid  }
0x8b: {  	s0 =	sand.u32 $0x1, s1  }
0x8c: {  	s14 =	sshll.u32 s0, $0xA;
	s2 =	sadd.s32 s3, s2  }
0x8d: {  	s2 =	sadd.s32 s2, s14  }
0x8e: {  	[smem:$0x3FC6] =	sst s2  }
0x8f: {  	_ = 	snop  }
0x90: {  	s2 =	sld [smem:$0x3FD0];
	_ =	sdelay $0x2  }
0x91: {  	s4 =	simm.s32 $0xA;
	s5 =	simm.s32 $0x10;
	s15 =	sld [smem:$0x3FC8]  }
0x92: {  	[smem:s5], [sflag:s4] =	dma.local [hbm:s2], $0x1  }
0x93: {  	_ =	swait.eq [sflag:s4], $0x1  }
0x94: {  	[sflag:s4] =	ssyncset.done $0x0  }
0x95: {  	[sflag:s4] =	ssyncadd.s32 $0xFFFFFFFF  }
0x96: {  	s16 =	sld [smem:$0x10];
	(tm) =	ssettm $0x1  }
0x97: {  	s17 =	sld [smem:$0x3FFB];
	_ =	sdelay $0x3  }
0x98: {  	_ =	strace s17  }
0x99: {  	s4 =	sld [smem:$0x3FFC];
	_ =	sdelay $0x3  }
0x9a: {  	_ =	strace s4  }
0x9b: {  	s4 =	sld [smem:$0x3FFD];
	_ =	sdelay $0x3  }
0x9c: {  	_ =	strace s4  }
0x9d: {  	_ =	strace $0x8FFFFFFF  }
0x9e: {  	s18 =	sld [smem:$0x3FDB];
	_ =	sdelay $0x1  }
0x9f: {  	s19 =	simm.s32 $_scs_section_size  }
0xa0: {  	s6 =	simm.s32 $_size__tile_overlayer_lowered;
	s7 =	simm.s32 $_tile_overlayer_lowered  }
0xa1: {  	s22 =	simm.s32 $0x1BFF;
	s21 =	sshll.u32 s7, $0x1;
	s4 =	sadd.s32 s19, s18  }
0xa2: {  	s8 =	simm.s32 $0x0;
	s20 =	sshll.u32 s6, $0x1;
	s6 =	sadd.s32 s21, s4  }
0xa3: {  	[timem:s8], [sflag:s22] =	dma.local [hbm:s6], s20  }
0xa4: {  	_ =	swait.ge [sflag:s22], s20  }
0xa5: {  	s5 =	ssub.s32 $0x0, s20;
	[sflag:s22] =	ssyncset.done $0x0  }
0xa6: {  	[sflag:s22] =	ssyncadd.s32 s5;
	_ =	sdelay $0x1  }
0xa7: {  	s23 =	simm.s32 $0x1B8B  }
0xa8: {  	_ =	swait.ge [sflag:s23], $0x1  }
0xa9: {  	[sflag:s23] =	ssyncset.done $0x0  }
0xaa: {  	s25 =	simm.s32 $0x1B8E;
	s24 =	sld [smem:$0x3FFE];
	[sflag:s23] =	ssyncadd.s32 $0xFFFFFFFF  }
0xab: {  	s26 =	simm.s32 $execute0_lowered;
	[smem:$0x3FD2] =	sst s25  }
0xac: {  	s6 =	sshll.u32 s26, $0x1;
	_ =	strace $0x80000046;
	[dreg:$0x1] =	wrdreg $0xFFFFFFFF  }
0xad: {  	s28 =	simm.s32 $_size_execute0_lowered;
	s4 =	sadd.s32 s4, s6;
	[dreg:$0x0] =	wrdreg $0x0  }
0xae: {  	s6 =	sshll.u32 s28, $0x1;
	[dreg:$0x2] =	wrdreg s4  }
0xaf: {  	[dreg:$0x3] =	wrdreg s6  }
0xb0: {  	[dreg:$0x4] =	wrdreg $0xC0  }
0xb1: {  	_ =	task [dreg:s8], $0x5FFFF  }
0xb2: {  	[dreg:$0x1] =	wrdreg $0xFFFFFFFF  }
0xb3: {  	[dreg:$0x0] =	wrdreg $0x60  }
0xb4: {  	[dreg:$0x2] =	wrdreg s15  }
0xb5: {  	[dreg:$0x3] =	wrdreg s24  }
0xb6: {  	[dreg:$0x4] =	wrdreg s16  }
0xb7: {  	[dreg:$0x5] =	wrdreg $0x124800  }
0xb8: {  	[dreg:$0x6] =	wrdreg $0x9  }
0xb9: {  	_ =	task.clear_ibuf [dreg:s8], $0x7FFFF;
	_ =	strace $0x90000046  }
0xba: {  	s29 =	simm.s32 $0x9;
	_ =	strace $0x80000048  }
0xbb: {  	_ =	swait.ge [sflag:s29], $0x1  }
0xbc: {  	[sflag:s29] =	ssyncadd.s32 $0xFFFFFFFF  }
0xbd: {  	_ =	strace $0x90000048  }
0xbe: {  	_ =	sfence  }
0xbf: {  	s30 =	sld [smem:$0x0];
	_ =	sdelay $0x2  }
0xc0: {  	s31 =	sshll.u32 s1, $0xD;
	s1 =	sshrl.u32 s1, $0x2  }
0xc1: {  	s3 =	sand.u32 $0x4000, s31;
	s1 =	sadd.s32 s1, s30  }
0xc2: {  	s0 =	sor.u32 s3, s0;
	s1 =	sshll.u32 s1, $0x11  }
0xc3: {  	s0 =	sor.u32 s1, s0  }
0xc4: {  	s0 =	sadd.s32 $0x8F2B, s0  }
0xc5: {  	[sflag:s0] =	ssyncadd.remote.s32 $0x1  }
0xc6: {  	_ =	sfence.sel $0xFFFF  }
0xc7: {  	[dreg:$0x0] =	wrdreg $0xFFFFFFFF;
	(pc) =	sbr.abs _section_cstart, $3  }
0xc8: {  	[dreg:$0x1] =	wrdreg $0xFFFFFFFF  }
0xc9: {  	_ =	task.clear_ibuf [dreg:s8], $0x2FFFF;
	_ =	strace $0x9FFFFFFF  }
0xca: {  	(tm) =	ssettm $0x7FFFFFFF  }
0xcb: {  	_ =	shalt  }
tec
execute0_lowered:
.L_overlay_start_1:
0x0: {  	(tag) =	ssettag $0x1  }
0x1: {  	s0 =	rddreg [dreg:$0x0]  }
0x2: {  	s4 =	rddreg [dreg:$0x1]  }
0x3: {  	s6 =	rddreg [dreg:$0x2]  }
0x4: {  	s2 =	rddreg [dreg:$0x3];
	s3 =	simm.s32 $0x0  }
0x5: {  	s11 =	simm.s32 $0x2200;
	[smem:$0x7FF] =	sst s3  }
0x6: {  	s12 =	simm.s32 $0x2A00;
	_ =	strace $0x80000047;
	[dreg:$0xc] =	wrdreg s11  }
0x7: {  	s13 =	simm.s32 $0x3200;
	[dreg:$0xd] =	wrdreg s12  }
0x8: {  	s14 =	simm.s32 $0x3A00;
	[dreg:$0xe] =	wrdreg s13  }
0x9: {  	s15 =	simm.s32 $0x4200;
	[dreg:$0xf] =	wrdreg s14  }
0xa: {  	s16 =	simm.s32 $0x4A00;
	[dreg:$0x10] =	wrdreg s15  }
0xb: {  	s17 =	simm.s32 $0x5200;
	[dreg:$0x11] =	wrdreg s16  }
0xc: {  	s18 =	simm.s32 $0x5A00;
	[dreg:$0x12] =	wrdreg s17  }
0xd: {  	s19 =	simm.s32 $0x6200;
	[dreg:$0x13] =	wrdreg s18  }
0xe: {  	s1 =	srdreg.scid;
	s20 =	simm.s32 $0x6A00;
	[dreg:$0x14] =	wrdreg s19  }
0xf: {  	s5 =	stileid.u32;
	s21 =	simm.s32 $0x7200;
	[dreg:$0x15] =	wrdreg s20  }
0x10: {  	s22 =	simm.s32 $0x7A00;
	s23 =	simm.s32 $0x8200;
	[dreg:$0x16] =	wrdreg s21  }
0x11: {  	s25 =	simm.s32 $0x8A00;
	s26 =	simm.s32 $0x9200;
	[dreg:$0x17] =	wrdreg s22  }
0x12: {  	s28 =	simm.s32 $0x9A00;
	s29 =	simm.s32 $0xA200;
	[dreg:$0x18] =	wrdreg s23  }
0x13: {  	s30 =	simm.s32 $0xAA00;
	s7 =	sand.u32 $0x1, s1;
	[dreg:$0x19] =	wrdreg s25  }
0x14: {  	s8 =	sshll.u32 s5, $0x1;
	s31 =	sshll.u32 s5, $0x9;
	[dreg:$0x1a] =	wrdreg s26  }
0x15: {  	p0 =	sne.s32 s5, $0x0;
	s5 =	simm.s32 $0x2;
	[dreg:$0x1b] =	wrdreg s28  }
0x16: {  	s8 =	sor.u32 s7, s8;
	s10 =	sshll.u32 s7, $0x4;
	[dreg:$0x1c] =	wrdreg s29  }
0x17: {  	s1 =	sadd.s32 s31, s2;
	s24 =	ssub.s32 $0x2, s7;
	[dreg:$0x1d] =	wrdreg s30  }
0x18: {  	s31 =	simm.s32 $0xB200;
	s11 =	simm.s32 $0xDA00;
	s12 =	simm.s32 $0xE200  }
0x19: {  	s13 =	simm.s32 $0xEA00;
	s14 =	simm.s32 $0xF200;
	s15 =	simm.s32 $0xFA00  }
0x1a: {  	s16 =	simm.s32 $0x10200;
	s17 =	simm.s32 $0x10A00;
	s18 =	simm.s32 $0x11200  }
0x1b: {  	s19 =	simm.s32 $0x11A00;
	s20 =	simm.s32 $0x12280;
	[dreg:$0x6] =	wrdreg s1  }
0x1c: {  	s21 =	simm.s32 $0x60;
	s9 =	sshll.u32 s8, $0x6;
	[dreg:$0x1e] =	wrdreg s31  }
0x1d: {  	s9 =	sadd.s32 s9, s4;
	s4 =	sadd.s32 s10, s4;
	s10 =	simm.s32 $0x1A00  }
0x1e: {  	s8 =	smul.u32 $0x2400, s8;
	s9 =	sadd.s32 $0xA00, s9;
	[dreg:$0xb] =	wrdreg s10  }
0x1f: {  	s22 =	simm.s32 $0x12200;
	s4 =	sadd.s32 $0x1200, s4;
	[dreg:$0x5] =	wrdreg s9  }
0x20: {  	s23 =	simm.s32 $0x80;
	s6 =	sadd.s32 s6, s8;
	[dreg:$0x7] =	wrdreg s4  }
0x21: {  	s25 =	simm.s32 $0x1;
	s8 =	simm.s32 $0xA00;
	[dreg:$0x8] =	wrdreg s6  }
0x22: {  	s7 =	sshrl.u32 s24, $0x1;
	s10 =	simm.s32 $0xD200;
	[dreg:$0x9] =	wrdreg s8  }
0x23: {  	v2 =	vlaneseq.u32;
	vm0 =	vmmov $0xffff;
	s9 =	simm.s32 $0x1200;
	s6 =	ssub.s32 s24, s7;
	s7 =	simm.s32 $0xBA00  }
0x24: {  	v3 =	vimm.f32 $0.0e+00;
	v4 =	vimm.f32 $1.000000000e+00;
	v1 =	vshrl.u32 v2, $0x3;
	s8 =	simm.s32 $0xC200;
	s24 =	simm.s32 $0x100;
	[dreg:$0xa] =	wrdreg s9  }
0x25: {  	v0 =	vand.u32 $0x7, v2;
	v2 =	vor.u32 $0x8, v2;
	v1 =	vmul.u32 $0x8, v1;
	s4 =	smax.u32 s6, $0x1;
	s6 =	simm.s32 $0x200;
	s9 =	simm.s32 $0xCA00  }
.LBB2_1:
0x26: {  	s26 =	rddreg [dreg:$0x5]  }
0x27: {  	[tilespmem:s3], [sflag:$0x2] =	stream.linear.gather [hbm4b:s26+s3], $0x180, $0x38;
	[tilespmem:$0x12680] =	vst v63  }
0x28: {  	_ =	swait.ge [sflag:s5], $0x180  }
0x29: {  	[sflag:s5] =	ssyncset.done $0x0  }
0x2a: {  	[sflag:s5] =	ssyncadd.s32 $0xFFFFFE80  }
0x2b: {  	v5 =	vld [tilespmem:$0x0];
	_ =	sdelay $0x4  }
0x2c: {  	v6 =	vshll.u32 v5, $0x1  }
0x2d: {  	v5 =	vand.u32 $0x7, v5;
	v6 =	vand.u32 $0xFFFFFFF0, v6  }
0x2e: {  	v5 =	vor.u32 v5, v6  }
0x2f: {  	v6 =	vperm.xlane v5, v0;
	_ =	sdelay $0x1  }
0x30: {  	v5 =	vperm.xlane v5, v2;
	v6 =	vadd.s32 v1, v6;
	_ =	sdelay $0x1  }
0x31: {  	v5 =	vadd.s32 v1, v5;
	_ =	sdelay $0x2  }
0x32: {  	[tilespmem:s6], [sflag:$0x1] =	stream.indirect_vreg.gather [hbm4b:s0+s3], $0x80, v6, vm0, $0xb8;
	[tilespmem:$0x12680] =	vst v63  }
0x33: {  	s29 =	rddreg [dreg:$0x9]  }
0x34: {  	[tilespmem:s29], [sflag:$0x1] =	stream.indirect_vreg.gather [hbm4b:s0+s3], $0x80, v5, vm0, $0xb8;
	[tilespmem:$0x12680] =	vst v63  }
0x35: {  	v5 =	vld [tilespmem:$0x10];
	_ =	sdelay $0x4  }
0x36: {  	v6 =	vshll.u32 v5, $0x1  }
0x37: {  	v5 =	vand.u32 $0x7, v5;
	v6 =	vand.u32 $0xFFFFFFF0, v6  }
0x38: {  	v5 =	vor.u32 v5, v6  }
0x39: {  	v6 =	vperm.xlane v5, v0;
	_ =	sdelay $0x1  }
0x3a: {  	v5 =	vperm.xlane v5, v2;
	v6 =	vadd.s32 v1, v6;
	_ =	sdelay $0x1  }
0x3b: {  	v5 =	vadd.s32 v1, v5;
	_ =	sdelay $0x1  }
0x3c: {  	s30 =	rddreg [dreg:$0xa]  }
0x3d: {  	[tilespmem:s30], [sflag:$0x1] =	stream.indirect_vreg.gather [hbm4b:s0+s3], $0x80, v6, vm0, $0xb8;
	[tilespmem:$0x12680] =	vst v63  }
0x3e: {  	s28 =	rddreg [dreg:$0xb]  }
0x3f: {  	[tilespmem:s28], [sflag:$0x1] =	stream.indirect_vreg.gather [hbm4b:s0+s3], $0x80, v5, vm0, $0xb8;
	[tilespmem:$0x12680] =	vst v63  }
0x40: {  	v5 =	vld [tilespmem:$0x20];
	_ =	sdelay $0x4  }
0x41: {  	v6 =	vshll.u32 v5, $0x1  }
0x42: {  	v5 =	vand.u32 $0x7, v5;
	v6 =	vand.u32 $0xFFFFFFF0, v6  }
0x43: {  	v5 =	vor.u32 v5, v6  }
0x44: {  	v6 =	vperm.xlane v5, v0;
	_ =	sdelay $0x1  }
0x45: {  	v5 =	vperm.xlane v5, v2;
	v6 =	vadd.s32 v1, v6;
	_ =	sdelay $0x1  }
0x46: {  	v5 =	vadd.s32 v1, v5;
	_ =	sdelay $0x1  }
0x47: {  	s31 =	rddreg [dreg:$0xc]  }
0x48: {  	[tilespmem:s31], [sflag:$0x1] =	stream.indirect_vreg.gather [hbm4b:s0+s3], $0x80, v6, vm0, $0xb8;
	[tilespmem:$0x12680] =	vst v63  }
0x49: {  	s1 =	rddreg [dreg:$0xd]  }
0x4a: {  	[tilespmem:s1], [sflag:$0x1] =	stream.indirect_vreg.gather [hbm4b:s0+s3], $0x80, v5, vm0, $0xb8;
	[tilespmem:$0x12680] =	vst v63  }
0x4b: {  	v5 =	vld [tilespmem:$0x30];
	_ =	sdelay $0x4  }
0x4c: {  	v6 =	vshll.u32 v5, $0x1  }
0x4d: {  	v5 =	vand.u32 $0x7, v5;
	v6 =	vand.u32 $0xFFFFFFF0, v6  }
0x4e: {  	v5 =	vor.u32 v5, v6  }
0x4f: {  	v6 =	vperm.xlane v5, v0;
	_ =	sdelay $0x1  }
0x50: {  	v5 =	vperm.xlane v5, v2;
	v6 =	vadd.s32 v1, v6;
	_ =	sdelay $0x1  }
0x51: {  	v5 =	vadd.s32 v1, v5;
	_ =	sdelay $0x1  }
0x52: {  	s29 =	rddreg [dreg:$0xe]  }
0x53: {  	[tilespmem:s29], [sflag:$0x1] =	stream.indirect_vreg.gather [hbm4b:s0+s3], $0x80, v6, vm0, $0xb8;
	[tilespmem:$0x12680] =	vst v63  }
0x54: {  	s30 =	rddreg [dreg:$0xf]  }
0x55: {  	[tilespmem:s30], [sflag:$0x1] =	stream.indirect_vreg.gather [hbm4b:s0+s3], $0x80, v5, vm0, $0xb8;
	[tilespmem:$0x12680] =	vst v63  }
0x56: {  	v5 =	vld [tilespmem:$0x40];
	_ =	sdelay $0x4  }
0x57: {  	v6 =	vshll.u32 v5, $0x1  }
0x58: {  	v5 =	vand.u32 $0x7, v5;
	v6 =	vand.u32 $0xFFFFFFF0, v6  }
0x59: {  	v5 =	vor.u32 v5, v6  }
0x5a: {  	v6 =	vperm.xlane v5, v0;
	_ =	sdelay $0x1  }
0x5b: {  	v5 =	vperm.xlane v5, v2;
	v6 =	vadd.s32 v1, v6;
	_ =	sdelay $0x1  }
0x5c: {  	v5 =	vadd.s32 v1, v5;
	_ =	sdelay $0x1  }
0x5d: {  	s31 =	rddreg [dreg:$0x10]  }
0x5e: {  	[tilespmem:s31], [sflag:$0x1] =	stream.indirect_vreg.gather [hbm4b:s0+s3], $0x80, v6, vm0, $0xb8;
	[tilespmem:$0x12680] =	vst v63  }
0x5f: {  	s1 =	rddreg [dreg:$0x11]  }
0x60: {  	[tilespmem:s1], [sflag:$0x1] =	stream.indirect_vreg.gather [hbm4b:s0+s3], $0x80, v5, vm0, $0xb8;
	[tilespmem:$0x12680] =	vst v63  }
0x61: {  	v5 =	vld [tilespmem:$0x50];
	_ =	sdelay $0x4  }
0x62: {  	v6 =	vshll.u32 v5, $0x1  }
0x63: {  	v5 =	vand.u32 $0x7, v5;
	v6 =	vand.u32 $0xFFFFFFF0, v6  }
0x64: {  	v5 =	vor.u32 v5, v6  }
0x65: {  	v6 =	vperm.xlane v5, v0;
	_ =	sdelay $0x1  }
0x66: {  	v5 =	vperm.xlane v5, v2;
	v6 =	vadd.s32 v1, v6;
	_ =	sdelay $0x1  }
0x67: {  	v5 =	vadd.s32 v1, v5;
	_ =	sdelay $0x1  }
0x68: {  	s29 =	rddreg [dreg:$0x12]  }
0x69: {  	[tilespmem:s29], [sflag:$0x1] =	stream.indirect_vreg.gather [hbm4b:s0+s3], $0x80, v6, vm0, $0xb8;
	[tilespmem:$0x12680] =	vst v63  }
0x6a: {  	s30 =	rddreg [dreg:$0x13]  }
0x6b: {  	[tilespmem:s30], [sflag:$0x1] =	stream.indirect_vreg.gather [hbm4b:s0+s3], $0x80, v5, vm0, $0xb8;
	[tilespmem:$0x12680] =	vst v63  }
0x6c: {  	v5 =	vld [tilespmem:$0x80];
	_ =	sdelay $0x4  }
0x6d: {  	v6 =	vshll.u32 v5, $0x1  }
0x6e: {  	v5 =	vand.u32 $0x7, v5;
	v6 =	vand.u32 $0xFFFFFFF0, v6  }
0x6f: {  	v5 =	vor.u32 v5, v6  }
0x70: {  	v6 =	vperm.xlane v5, v0;
	_ =	sdelay $0x1  }
0x71: {  	v5 =	vperm.xlane v5, v2;
	v6 =	vadd.s32 v1, v6;
	_ =	sdelay $0x1  }
0x72: {  	v5 =	vadd.s32 v1, v5;
	_ =	sdelay $0x1  }
0x73: {  	s31 =	rddreg [dreg:$0x14]  }
0x74: {  	[tilespmem:s31], [sflag:$0x1] =	stream.indirect_vreg.gather [hbm4b:s0+s3], $0x80, v6, vm0, $0xb8;
	[tilespmem:$0x12680] =	vst v63  }
0x75: {  	s1 =	rddreg [dreg:$0x15]  }
0x76: {  	[tilespmem:s1], [sflag:$0x1] =	stream.indirect_vreg.gather [hbm4b:s0+s3], $0x80, v5, vm0, $0xb8;
	[tilespmem:$0x12680] =	vst v63  }
0x77: {  	v5 =	vld [tilespmem:$0x90];
	_ =	sdelay $0x4  }
0x78: {  	v6 =	vshll.u32 v5, $0x1  }
0x79: {  	v5 =	vand.u32 $0x7, v5;
	v6 =	vand.u32 $0xFFFFFFF0, v6  }
0x7a: {  	v5 =	vor.u32 v5, v6  }
0x7b: {  	v6 =	vperm.xlane v5, v0;
	_ =	sdelay $0x1  }
0x7c: {  	v5 =	vperm.xlane v5, v2;
	v6 =	vadd.s32 v1, v6;
	_ =	sdelay $0x1  }
0x7d: {  	v5 =	vadd.s32 v1, v5;
	_ =	sdelay $0x1  }
0x7e: {  	s29 =	rddreg [dreg:$0x16]  }
0x7f: {  	[tilespmem:s29], [sflag:$0x1] =	stream.indirect_vreg.gather [hbm4b:s0+s3], $0x80, v6, vm0, $0xb8;
	[tilespmem:$0x12680] =	vst v63  }
0x80: {  	s30 =	rddreg [dreg:$0x17]  }
0x81: {  	[tilespmem:s30], [sflag:$0x1] =	stream.indirect_vreg.gather [hbm4b:s0+s3], $0x80, v5, vm0, $0xb8;
	[tilespmem:$0x12680] =	vst v63  }
0x82: {  	v5 =	vld [tilespmem:$0xA0];
	_ =	sdelay $0x4  }
0x83: {  	v6 =	vshll.u32 v5, $0x1  }
0x84: {  	v5 =	vand.u32 $0x7, v5;
	v6 =	vand.u32 $0xFFFFFFF0, v6  }
0x85: {  	v5 =	vor.u32 v5, v6  }
0x86: {  	v6 =	vperm.xlane v5, v0;
	_ =	sdelay $0x1  }
0x87: {  	v5 =	vperm.xlane v5, v2;
	v6 =	vadd.s32 v1, v6;
	_ =	sdelay $0x1  }
0x88: {  	v5 =	vadd.s32 v1, v5;
	_ =	sdelay $0x1  }
0x89: {  	s31 =	rddreg [dreg:$0x18]  }
0x8a: {  	[tilespmem:s31], [sflag:$0x1] =	stream.indirect_vreg.gather [hbm4b:s0+s3], $0x80, v6, vm0, $0xb8;
	[tilespmem:$0x12680] =	vst v63  }
0x8b: {  	s1 =	rddreg [dreg:$0x19]  }
0x8c: {  	[tilespmem:s1], [sflag:$0x1] =	stream.indirect_vreg.gather [hbm4b:s0+s3], $0x80, v5, vm0, $0xb8;
	[tilespmem:$0x12680] =	vst v63  }
0x8d: {  	v5 =	vld [tilespmem:$0xB0];
	_ =	sdelay $0x4  }
0x8e: {  	v6 =	vshll.u32 v5, $0x1  }
0x8f: {  	v5 =	vand.u32 $0x7, v5;
	v6 =	vand.u32 $0xFFFFFFF0, v6  }
0x90: {  	v5 =	vor.u32 v5, v6  }
0x91: {  	v6 =	vperm.xlane v5, v0;
	_ =	sdelay $0x1  }
0x92: {  	v5 =	vperm.xlane v5, v2;
	v6 =	vadd.s32 v1, v6;
	_ =	sdelay $0x1  }
0x93: {  	v5 =	vadd.s32 v1, v5;
	_ =	sdelay $0x1  }
0x94: {  	s29 =	rddreg [dreg:$0x1a]  }
0x95: {  	[tilespmem:s29], [sflag:$0x1] =	stream.indirect_vreg.gather [hbm4b:s0+s3], $0x80, v6, vm0, $0xb8;
	[tilespmem:$0x12680] =	vst v63  }
0x96: {  	s30 =	rddreg [dreg:$0x1b]  }
0x97: {  	[tilespmem:s30], [sflag:$0x1] =	stream.indirect_vreg.gather [hbm4b:s0+s3], $0x80, v5, vm0, $0xb8;
	[tilespmem:$0x12680] =	vst v63  }
0x98: {  	v5 =	vld [tilespmem:$0xC0];
	_ =	sdelay $0x4  }
0x99: {  	v6 =	vshll.u32 v5, $0x1  }
0x9a: {  	v5 =	vand.u32 $0x7, v5;
	v6 =	vand.u32 $0xFFFFFFF0, v6  }
0x9b: {  	v5 =	vor.u32 v5, v6  }
0x9c: {  	v6 =	vperm.xlane v5, v0;
	_ =	sdelay $0x1  }
0x9d: {  	v5 =	vperm.xlane v5, v2;
	v6 =	vadd.s32 v1, v6;
	_ =	sdelay $0x1  }
0x9e: {  	v5 =	vadd.s32 v1, v5;
	_ =	sdelay $0x1  }
0x9f: {  	s31 =	rddreg [dreg:$0x1c]  }
0xa0: {  	[tilespmem:s31], [sflag:$0x1] =	stream.indirect_vreg.gather [hbm4b:s0+s3], $0x80, v6, vm0, $0xb8;
	[tilespmem:$0x12680] =	vst v63  }
0xa1: {  	s1 =	rddreg [dreg:$0x1d]  }
0xa2: {  	[tilespmem:s1], [sflag:$0x1] =	stream.indirect_vreg.gather [hbm4b:s0+s3], $0x80, v5, vm0, $0xb8;
	[tilespmem:$0x12680] =	vst v63  }
0xa3: {  	v5 =	vld [tilespmem:$0xD0];
	_ =	sdelay $0x4  }
0xa4: {  	v6 =	vshll.u32 v5, $0x1  }
0xa5: {  	v5 =	vand.u32 $0x7, v5;
	v6 =	vand.u32 $0xFFFFFFF0, v6  }
0xa6: {  	v5 =	vor.u32 v5, v6  }
0xa7: {  	v6 =	vperm.xlane v5, v0;
	_ =	sdelay $0x1  }
0xa8: {  	v5 =	vperm.xlane v5, v2;
	v6 =	vadd.s32 v1, v6;
	_ =	sdelay $0x1  }
0xa9: {  	v5 =	vadd.s32 v1, v5;
	_ =	sdelay $0x1  }
0xaa: {  	s29 =	rddreg [dreg:$0x1e]  }
0xab: {  	[tilespmem:s29], [sflag:$0x1] =	stream.indirect_vreg.gather [hbm4b:s0+s3], $0x80, v6, vm0, $0xb8;
	[tilespmem:$0x12680] =	vst v63  }
0xac: {  	_ = 	snop  }
0xad: {  	[tilespmem:s7], [sflag:$0x1] =	stream.indirect_vreg.gather [hbm4b:s0+s3], $0x80, v5, vm0, $0xb8;
	[tilespmem:$0x12680] =	vst v63  }
0xae: {  	v5 =	vld [tilespmem:$0x100];
	_ =	sdelay $0x4  }
0xaf: {  	v6 =	vshll.u32 v5, $0x1  }
0xb0: {  	v5 =	vand.u32 $0x7, v5;
	v6 =	vand.u32 $0xFFFFFFF0, v6  }
0xb1: {  	v5 =	vor.u32 v5, v6  }
0xb2: {  	v6 =	vperm.xlane v5, v0;
	_ =	sdelay $0x1  }
0xb3: {  	v5 =	vperm.xlane v5, v2;
	v6 =	vadd.s32 v1, v6;
	_ =	sdelay $0x1  }
0xb4: {  	v5 =	vadd.s32 v1, v5;
	_ =	sdelay $0x2  }
0xb5: {  	[tilespmem:s8], [sflag:$0x1] =	stream.indirect_vreg.gather [hbm4b:s0+s3], $0x80, v6, vm0, $0xb8;
	[tilespmem:$0x12680] =	vst v63  }
0xb6: {  	_ = 	snop  }
0xb7: {  	[tilespmem:s9], [sflag:$0x1] =	stream.indirect_vreg.gather [hbm4b:s0+s3], $0x80, v5, vm0, $0xb8;
	[tilespmem:$0x12680] =	vst v63  }
0xb8: {  	v5 =	vld [tilespmem:$0x110];
	_ =	sdelay $0x4  }
0xb9: {  	v6 =	vshll.u32 v5, $0x1  }
0xba: {  	v5 =	vand.u32 $0x7, v5;
	v6 =	vand.u32 $0xFFFFFFF0, v6  }
0xbb: {  	v5 =	vor.u32 v5, v6  }
0xbc: {  	v6 =	vperm.xlane v5, v0;
	_ =	sdelay $0x1  }
0xbd: {  	v5 =	vperm.xlane v5, v2;
	v6 =	vadd.s32 v1, v6;
	_ =	sdelay $0x1  }
0xbe: {  	v5 =	vadd.s32 v1, v5;
	_ =	sdelay $0x2  }
0xbf: {  	[tilespmem:s10], [sflag:$0x1] =	stream.indirect_vreg.gather [hbm4b:s0+s3], $0x80, v6, vm0, $0xb8;
	[tilespmem:$0x12680] =	vst v63  }
0xc0: {  	_ = 	snop  }
0xc1: {  	[tilespmem:s11], [sflag:$0x1] =	stream.indirect_vreg.gather [hbm4b:s0+s3], $0x80, v5, vm0, $0xb8;
	[tilespmem:$0x12680] =	vst v63  }
0xc2: {  	v5 =	vld [tilespmem:$0x120];
	_ =	sdelay $0x4  }
0xc3: {  	v6 =	vshll.u32 v5, $0x1  }
0xc4: {  	v5 =	vand.u32 $0x7, v5;
	v6 =	vand.u32 $0xFFFFFFF0, v6  }
0xc5: {  	v5 =	vor.u32 v5, v6  }
0xc6: {  	v6 =	vperm.xlane v5, v0;
	_ =	sdelay $0x1  }
0xc7: {  	v5 =	vperm.xlane v5, v2;
	v6 =	vadd.s32 v1, v6;
	_ =	sdelay $0x1  }
0xc8: {  	v5 =	vadd.s32 v1, v5;
	_ =	sdelay $0x2  }
0xc9: {  	[tilespmem:s12], [sflag:$0x1] =	stream.indirect_vreg.gather [hbm4b:s0+s3], $0x80, v6, vm0, $0xb8;
	[tilespmem:$0x12680] =	vst v63  }
0xca: {  	_ = 	snop  }
0xcb: {  	[tilespmem:s13], [sflag:$0x1] =	stream.indirect_vreg.gather [hbm4b:s0+s3], $0x80, v5, vm0, $0xb8;
	[tilespmem:$0x12680] =	vst v63  }
0xcc: {  	v5 =	vld [tilespmem:$0x130];
	_ =	sdelay $0x4  }
0xcd: {  	v6 =	vshll.u32 v5, $0x1  }
0xce: {  	v5 =	vand.u32 $0x7, v5;
	v6 =	vand.u32 $0xFFFFFFF0, v6  }
0xcf: {  	v5 =	vor.u32 v5, v6  }
0xd0: {  	v6 =	vperm.xlane v5, v0;
	_ =	sdelay $0x1  }
0xd1: {  	v5 =	vperm.xlane v5, v2;
	v6 =	vadd.s32 v1, v6;
	_ =	sdelay $0x1  }
0xd2: {  	v5 =	vadd.s32 v1, v5;
	_ =	sdelay $0x2  }
0xd3: {  	[tilespmem:s14], [sflag:$0x1] =	stream.indirect_vreg.gather [hbm4b:s0+s3], $0x80, v6, vm0, $0xb8;
	[tilespmem:$0x12680] =	vst v63  }
0xd4: {  	_ = 	snop  }
0xd5: {  	[tilespmem:s15], [sflag:$0x1] =	stream.indirect_vreg.gather [hbm4b:s0+s3], $0x80, v5, vm0, $0xb8;
	[tilespmem:$0x12680] =	vst v63  }
0xd6: {  	v5 =	vld [tilespmem:$0x140];
	_ =	sdelay $0x4  }
0xd7: {  	v6 =	vshll.u32 v5, $0x1  }
0xd8: {  	v5 =	vand.u32 $0x7, v5;
	v6 =	vand.u32 $0xFFFFFFF0, v6  }
0xd9: {  	v5 =	vor.u32 v5, v6  }
0xda: {  	v6 =	vperm.xlane v5, v0;
	_ =	sdelay $0x1  }
0xdb: {  	v5 =	vperm.xlane v5, v2;
	v6 =	vadd.s32 v1, v6;
	_ =	sdelay $0x1  }
0xdc: {  	v5 =	vadd.s32 v1, v5;
	_ =	sdelay $0x2  }
0xdd: {  	[tilespmem:s16], [sflag:$0x1] =	stream.indirect_vreg.gather [hbm4b:s0+s3], $0x80, v6, vm0, $0xb8;
	[tilespmem:$0x12680] =	vst v63  }
0xde: {  	_ = 	snop  }
0xdf: {  	[tilespmem:s17], [sflag:$0x1] =	stream.indirect_vreg.gather [hbm4b:s0+s3], $0x80, v5, vm0, $0xb8;
	[tilespmem:$0x12680] =	vst v63  }
0xe0: {  	v5 =	vld [tilespmem:$0x150];
	_ =	sdelay $0x4  }
0xe1: {  	v6 =	vshll.u32 v5, $0x1  }
0xe2: {  	v5 =	vand.u32 $0x7, v5;
	v6 =	vand.u32 $0xFFFFFFF0, v6  }
0xe3: {  	v5 =	vor.u32 v5, v6  }
0xe4: {  	v6 =	vperm.xlane v5, v0;
	_ =	sdelay $0x1  }
0xe5: {  	v5 =	vperm.xlane v5, v2;
	v6 =	vadd.s32 v1, v6;
	_ =	sdelay $0x1  }
0xe6: {  	v5 =	vadd.s32 v1, v5;
	_ =	sdelay $0x2  }
0xe7: {  	[tilespmem:s18], [sflag:$0x1] =	stream.indirect_vreg.gather [hbm4b:s0+s3], $0x80, v6, vm0, $0xb8;
	[tilespmem:$0x12680] =	vst v63  }
0xe8: {  	_ = 	snop  }
0xe9: {  	[tilespmem:s19], [sflag:$0x1] =	stream.indirect_vreg.gather [hbm4b:s0+s3], $0x80, v5, vm0, $0xb8;
	[tilespmem:$0x12680] =	vst v63  }
0xea: {  	[tilespmem:$0x12280] =	vst v3  }
0xeb: {  	[tilespmem:$0x12290] =	vst v3  }
0xec: {  	[tilespmem:$0x122A0] =	vst v3  }
0xed: {  	[tilespmem:$0x122B0] =	vst v3  }
0xee: {  	[tilespmem:$0x122C0] =	vst v3  }
0xef: {  	[tilespmem:$0x122D0] =	vst v3  }
0xf0: {  	[tilespmem:$0x122E0] =	vst v3  }
0xf1: {  	[tilespmem:$0x122F0] =	vst v3  }
0xf2: {  	[tilespmem:$0x12300] =	vst v3  }
0xf3: {  	[tilespmem:$0x12310] =	vst v3  }
0xf4: {  	[tilespmem:$0x12320] =	vst v3  }
0xf5: {  	[tilespmem:$0x12330] =	vst v3  }
0xf6: {  	[tilespmem:$0x12340] =	vst v3  }
0xf7: {  	[tilespmem:$0x12350] =	vst v3  }
0xf8: {  	[tilespmem:$0x12360] =	vst v3  }
0xf9: {  	[tilespmem:$0x12370] =	vst v3  }
0xfa: {  	[tilespmem:$0x12380] =	vst v3  }
0xfb: {  	[tilespmem:$0x12390] =	vst v3  }
0xfc: {  	[tilespmem:$0x123A0] =	vst v3  }
0xfd: {  	[tilespmem:$0x123B0] =	vst v3  }
0xfe: {  	[tilespmem:$0x123C0] =	vst v3  }
0xff: {  	[tilespmem:$0x123D0] =	vst v3  }
0x100: {  	[tilespmem:$0x123E0] =	vst v3  }
0x101: {  	[tilespmem:$0x123F0] =	vst v3  }
0x102: {  	[tilespmem:$0x12400] =	vst v3  }
0x103: {  	[tilespmem:$0x12410] =	vst v3  }
0x104: {  	[tilespmem:$0x12420] =	vst v3  }
0x105: {  	[tilespmem:$0x12430] =	vst v3  }
0x106: {  	[tilespmem:$0x12440] =	vst v3  }
0x107: {  	[tilespmem:$0x12450] =	vst v3  }
0x108: {  	[tilespmem:$0x12460] =	vst v3  }
0x109: {  	[tilespmem:$0x12470] =	vst v3  }
0x10a: {  	[tilespmem:$0x12200] =	vst v4  }
0x10b: {  	[tilespmem:$0x12210] =	vst v4  }
0x10c: {  	[tilespmem:$0x12220] =	vst v4  }
0x10d: {  	[tilespmem:$0x12230] =	vst v4  }
0x10e: {  	[tilespmem:$0x12240] =	vst v4  }
0x10f: {  	s30 =	rddreg [dreg:$0x6];
	[tilespmem:$0x12250] =	vst v4  }
0x110: {  	[spmem:s30] =	stream.linear.scatter [tilespmem:s20], [sflag:$0x2], $0x200, $0x38;
	[tilespmem:$0x12680] =	vst v63  }
0x111: {  	_ =	swait.ge [sflag:s5], $0x200  }
0x112: {  	[sflag:s5] =	ssyncset.done $0x0  }
0x113: {  	[sflag:s5] =	ssyncadd.s32 $0xFFFFFE00  }
0x114: {  	[bflag:$0x0] =	sbarrier.arrive $0xFFFF  }
0x115: {  	[spmem:s2] =	stream.indirect.scatter.add.f32 [tilespmem:s22], [sflag:$0x2], $0x1, s3, s21, $0xb8;
	[tilespmem:$0x12680] =	vst v63  }
0x116: {  	_ =	swait.ge [sflag:s5], $0x60  }
0x117: {  	[sflag:s5] =	ssyncset.done $0x0  }
0x118: {  	[sflag:s5] =	ssyncadd.s32 $0xFFFFFFA0  }
0x119: {  	[spmem:s2] =	stream.indirect.scatter.add.f32 [tilespmem:s22], [sflag:$0x2], $0x1, s23, s21, $0xb8;
	[tilespmem:$0x12680] =	vst v63  }
0x11a: {  	_ =	swait.ge [sflag:s5], $0x60  }
0x11b: {  	[sflag:s5] =	ssyncset.done $0x0  }
0x11c: {  	[sflag:s5] =	ssyncadd.s32 $0xFFFFFFA0  }
0x11d: {  	[spmem:s2] =	stream.indirect.scatter.add.f32 [tilespmem:s22], [sflag:$0x2], $0x1, s24, s21, $0xb8;
	[tilespmem:$0x12680] =	vst v63  }
0x11e: {  	_ =	swait.ge [sflag:s5], $0x60  }
0x11f: {  	[sflag:s5] =	ssyncset.done $0x0  }
0x120: {  	s28 =	sshrl.u32 @!p0 s2, $0x3;
	[sflag:s5] =	ssyncadd.s32 $0xFFFFFFA0  }
0x121: {  	s31 =	simm.s32 @!p0 $0x10;
	s1 =	simm.s32 @!p0 $0x1C02;
	[bflag:$0x0] =	sbarrier.arrive $0xFFFF  }
0x122: {  	s29 =	simm.s32 @!p0 $0x1;
	s30 =	simm.s32 @!p0 $0x20;
	s26 =	rddreg [dreg:$0x7]  }
0x123: {  	[hbm:s26@s30], [sflag:s1] =	dma.strided @!p0 [spmem:s28@s31], $0x400, s29, $0x10   }
0x124: {  	s1 =	simm.s32 @!p0 $0x2  }
0x125: {  	_ =	swait.ge @!p0 [sflag:s1], $0x400  }
0x126: {  	[sflag:s1] =	ssyncset.done @!p0 $0x0  }
0x127: {  	[sflag:s1] =	ssyncadd.s32 @!p0 $0xFFFFFC00  }
0x128: {  	_ =	swait.ge [sflag:s25], $0x6000  }
0x129: {  	[sflag:s25] =	ssyncset.done $0x0  }
0x12a: {  	[sflag:s25] =	ssyncadd.s32 $0xFFFFA000  }
0x12b: {  	_ =	swait.ge [sflag:s25], $0x6000  }
0x12c: {  	[sflag:s25] =	ssyncset.done $0x0  }
0x12d: {  	[sflag:s25] =	ssyncadd.s32 $0xFFFFA000  }
0x12e: {  	s4 =	sadd.s32 $0xFFFFFFFF, s4;
	_ =	swait.ge [sflag:s25], $0x6000  }
0x12f: {  	p1 =	sne.s32 s4, $0x0;
	[sflag:s25] =	ssyncset.done $0x0  }
.Ltmp0:
0x130: {  	s31 =	rddreg [dreg:$0x8];
	[sflag:s25] =	ssyncadd.s32 $0xFFFFA000;
	(pc) =	sbr.rel @p1 .LBB2_1-.Ltmp0, $4  }
0x131: {  	[hbm4b:s31+s3] =	stream.linear.scatter [tilespmem:s6], [sflag:$0x2], $0x12000, $0x38;
	[tilespmem:$0x12680] =	vst v63  }
0x132: {  	_ =	swait.ge [sflag:s5], $0x12000  }
0x133: {  	[sflag:s5] =	ssyncset.done $0x0  }
0x134: {  	[sflag:s5] =	ssyncadd.s32 $0xFFFEE000  }
0x135: {  	_ =	sfence.sel $0x180000  }
0x136: {  	[bflag:$0x0] =	sbarrier.arrive $0xFFFF  }
0x137: {  	_ =	strace $0x90000047  }
0x138: {  	[bflag:$0x2] =	sbarrier.arrive $0xFFFF  }
0x139: {  	s0 =	rddreg [dreg:$0x4]  }
0x13a: {  	s0 =	sadd.s32 @!p0 $0x100000, s0  }
0x13b: {  	[sflag:s0] =	ssyncadd.tile.s32 @!p0 $0x1;
	_ =	shalt  }
.Lfunc_end2:
_tile_overlayer_lowered:
.L_overlay_start_2:
0x13c: {  	(tag) =	ssettag $0x2  }
0x13d: {  	s0 =	rddreg [dreg:$0x0];
	s2 =	stileid.u32  }
0x13e: {  	s1 =	rddreg [dreg:$0x1];
	p0 =	sne.s32 s2, $0x0  }
0x13f: {  	s3 =	rddreg [dreg:$0x2];
	[bflag:$0x3] =	sbarrier.arrive $0xFFFF;
	s2 =	simm.s32 @!p0 $0x1C02  }
0x140: {  	[timem:s3], [sflag:s2] =	dma.local @!p0 [hbm:s0], s1  }
0x141: {  	s0 =	simm.s32 @!p0 $0x2  }
0x142: {  	_ =	swait.ge @!p0 [sflag:s0], s1  }
0x143: {  	s1 =	ssub.s32 @!p0 $0x0, s1;
	[sflag:s0] =	ssyncset.done @!p0 $0x0  }
0x144: {  	[sflag:s0] =	ssyncadd.s32 @!p0 s1  }
0x145: {  	[bflag:$0x3] =	sbarrier.arrive $0xFFFF  }
0x146: {  	_ =	shalt  }

</sc_bundles>
